<compile_context>
chip_gen: v7x
topology: tpu7x:2x2x1
jax: 0.10.2.dev20260603
libtpu: 0.0.44.dev20260713+nightly
codegen_flags: <defaults>
</compile_context>

<pallas_src>
import functools

import jax
import jax.numpy as jnp
from jax import lax
from jax.experimental import pallas as pl
from jax.experimental.pallas import tpu as pltpu
from jax.experimental.pallas import tpu_sc as plsc

N_NODES = 10000
N_EDGES = 320000
D_IN = 128
D_HID = 18
D_OUT = 7

DP1 = 24
DP2 = 8
NP = 10240

NC = 2
NS = 16
NW = NC * NS
EDGES_PER_W = N_EDGES // NW
CHUNK = 80
NCHUNK = EDGES_PER_W // CHUNK
NBUF = 5
ROWS_PER_TILE = NP // NS



def _mm_body(x_ref, w_ref, o_ref):
    o_ref[...] = jnp.dot(x_ref[...], w_ref[...],
                         preferred_element_type=jnp.float32)


def _tc_matmul(x, w, bm, m_out):
    m, k = x.shape
    n = w.shape[1]
    return pl.pallas_call(
        _mm_body,
        grid=(m // bm,),
        in_specs=[pl.BlockSpec((bm, k), lambda i: (i, 0)),
                  pl.BlockSpec((k, n), lambda i: (0, 0))],
        out_specs=pl.BlockSpec((bm, n), lambda i: (i, 0)),
        out_shape=jax.ShapeDtypeStruct((m_out, n), jnp.float32),
    )(x, w)


def _fused_body(p0_ref, p1_ref, b_ref, w_ref, o_ref):
    h = jnp.maximum(p0_ref[...] + p1_ref[...] + b_ref[...], 0.0)
    o_ref[...] = jnp.dot(h, w_ref[...], preferred_element_type=jnp.float32)


def _tc_relu_matmul(p0, p1, b, w, bm):
    m, k = p0.shape
    n = w.shape[1]
    return pl.pallas_call(
        _fused_body,
        grid=(m // bm,),
        in_specs=[pl.BlockSpec((bm, k), lambda i: (i, 0)),
                  pl.BlockSpec((bm, k), lambda i: (i, 0)),
                  pl.BlockSpec((1, k), lambda i: (0, 0)),
                  pl.BlockSpec((k, n), lambda i: (0, 0))],
        out_specs=pl.BlockSpec((bm, n), lambda i: (i, 0)),
        out_shape=jax.ShapeDtypeStruct((m, n), jnp.float32),
    )(p0, p1, b, w)


def _final_body(p0_ref, p1_ref, b_ref, o_ref):
    s = p0_ref[...] + p1_ref[...] + b_ref[...]
    o_ref[...] = s[:, :D_OUT]


def _tc_final(p0, p1, b, bm):
    m, k = p0.shape
    return pl.pallas_call(
        _final_body,
        grid=(m // bm,),
        in_specs=[pl.BlockSpec((bm, k), lambda i: (i, 0)),
                  pl.BlockSpec((bm, k), lambda i: (i, 0)),
                  pl.BlockSpec((1, k), lambda i: (0, 0))],
        out_specs=pl.BlockSpec((bm, D_OUT), lambda i: (i, 0)),
        out_shape=jax.ShapeDtypeStruct((m, D_OUT), jnp.float32),
    )(p0, p1, b)



def _sc_aggregate(support, src2d, dst2d, zeros_hbm, dp, stage_spmem):
    mesh = plsc.VectorSubcoreMesh(core_axis_name="c", subcore_axis_name="s")

    @functools.partial(
        pl.kernel,
        out_type=jax.ShapeDtypeStruct((NC, NP, dp), jnp.float32),
        mesh=mesh,
        compiler_params=pltpu.CompilerParams(use_tc_tiling_on_sc=False),
        scratch_types=[
            pltpu.VMEM((NCHUNK, CHUNK), jnp.int32),
            pltpu.VMEM((NCHUNK, CHUNK), jnp.int32),
            pltpu.VMEM((NBUF, CHUNK, dp), jnp.float32),
            pltpu.VMEM_SHARED((NP, dp), jnp.float32),
            pltpu.VMEM_SHARED((NP, dp), jnp.float32),
            pltpu.SemaphoreType.DMA((NBUF,)),
            pltpu.SemaphoreType.DMA((NBUF,)),
        ],
    )
    def k(sup_hbm, src_hbm, dst_hbm, zero_hbm, out_hbm,
          src_v, dst_v, rows_v, agg_sh, sup_sh, gsem, ssem):
        cid = lax.axis_index("c")
        sid = lax.axis_index("s")
        wid = sid * NC + cid

        pltpu.sync_copy(
            zero_hbm.at[pl.ds(sid * ROWS_PER_TILE, ROWS_PER_TILE)],
            agg_sh.at[pl.ds(sid * ROWS_PER_TILE, ROWS_PER_TILE)],
        )

        pltpu.sync_copy(src_hbm.at[wid], src_v)
        pltpu.sync_copy(dst_hbm.at[wid], dst_v)

        if stage_spmem:
            pltpu.sync_copy(
                sup_hbm.at[pl.ds(sid * ROWS_PER_TILE, ROWS_PER_TILE)],
                sup_sh.at[pl.ds(sid * ROWS_PER_TILE, ROWS_PER_TILE)],
            )
        sup_src = sup_sh if stage_spmem else sup_hbm

        plsc.subcore_barrier()

        for b in range(NBUF):
            pltpu.async_copy(sup_src.at[src_v.at[b]], rows_v.at[b], gsem.at[b])

        @pl.loop(0, NCHUNK, step=NBUF)
        def _(kk):
            for b in range(NBUF):
                pltpu.make_async_copy(
                    sup_src.at[src_v.at[kk + b]], rows_v.at[b], gsem.at[b]
                ).wait()
                pltpu.async_copy(
                    rows_v.at[b], agg_sh.at[dst_v.at[kk + b]], ssem.at[b],
                    add=True,
                )
            for b in range(NBUF):
                pltpu.make_async_copy(
                    rows_v.at[b], agg_sh.at[dst_v.at[kk + b]], ssem.at[b]
                ).wait()
                nxt = kk + NBUF + b

                @pl.when(nxt < NCHUNK)
                def _():
                    pltpu.async_copy(
                        sup_src.at[src_v.at[nxt]], rows_v.at[b], gsem.at[b]
                    )

        plsc.subcore_barrier()

        pltpu.sync_copy(
            agg_sh.at[pl.ds(sid * ROWS_PER_TILE, ROWS_PER_TILE)],
            out_hbm.at[cid, pl.ds(sid * ROWS_PER_TILE, ROWS_PER_TILE)],
        )

    return k(support, src2d, dst2d, zeros_hbm)



def kernel(adjacency, feature_matrix, W1, b1, W2, b2):
    src2d = adjacency[0].reshape(NW, NCHUNK, CHUNK)
    dst2d = adjacency[1].reshape(NW, NCHUNK, CHUNK)

    W1p = jnp.zeros((D_IN, DP1), jnp.float32).at[:, :D_HID].set(W1)
    b1p = jnp.zeros((1, DP1), jnp.float32).at[0, :D_HID].set(b1)
    W2p = jnp.zeros((DP1, DP2), jnp.float32).at[:D_HID, :D_OUT].set(W2)
    b2p = jnp.zeros((1, DP2), jnp.float32).at[0, :D_OUT].set(b2)

    z1 = jnp.zeros((NP, DP1), jnp.float32)
    z2 = jnp.zeros((NP, DP2), jnp.float32)
    support1 = _tc_matmul(feature_matrix, W1p, bm=1000, m_out=NP)
    part1 = _sc_aggregate(support1, src2d, dst2d, z1, DP1, stage_spmem=False)
    support2 = _tc_relu_matmul(part1[0], part1[1], b1p, W2p, bm=1024)
    part2 = _sc_aggregate(support2, src2d, dst2d, z2, DP2, stage_spmem=True)
    return _tc_final(part2[0], part2[1], b2p, bm=1024)[:N_NODES]

# --- scband reference (transcript-rebuilt; emitter-appended) ---
"""Pipeline reference for scband-gcn-net-39462159515773 (READ-ONLY COPY).

The authoritative reference and input builder live on the scoring server;
editing this copy changes nothing except your own understanding.
"""

import jax, jax.numpy as jnp
import numpy as np

N_NODES = 10000
N_EDGES = 320000
D_IN = 128
D_HID = 18
D_OUT = 7


def setup_inputs(seed: int = 0) -> dict:
    key = jax.random.key(seed)
    k1, k2, k3, k4, k5, k6 = jax.random.split(key, 6)
    adjacency = jax.random.randint(k1, (2, N_EDGES), 0, N_NODES, dtype=jnp.int64 if jax.config.jax_enable_x64 else jnp.int32).astype(jnp.int32)
    feature_matrix = jax.random.normal(k2, (N_NODES, D_IN), dtype=jnp.float32)
    # learned parameters per init: GraphConvolution_layer(128, 18) and (18, 7)
    W1 = jax.random.normal(k3, (D_IN, D_HID), dtype=jnp.float32) * (1.0 / np.sqrt(D_IN))
    b1 = jnp.zeros((D_HID,), dtype=jnp.float32)
    W2 = jax.random.normal(k4, (D_HID, D_OUT), dtype=jnp.float32) * (1.0 / np.sqrt(D_HID))
    b2 = jnp.zeros((D_OUT,), dtype=jnp.float32)
    return {"adjacency": adjacency, "feature_matrix": feature_matrix, "W1": W1, "b1": b1, "W2": W2, "b2": b2}


def _gcn_layer(adjacency, x, W, b):
    # support = X @ W; out = A @ support (sparse spmm via gather + scatter-add)
    support = x @ W
    src = adjacency[0]
    dst = adjacency[1]
    msgs = jnp.take(support, src, axis=0)
    agg = jax.ops.segment_sum(msgs, dst, num_segments=N_NODES)
    return agg + b


def reference(adjacency, feature_matrix, W1, b1, W2, b2):
    h = jax.nn.relu(_gcn_layer(adjacency, feature_matrix, W1, b1))
    logits = _gcn_layer(adjacency, h, W2, b2)
    return logits

if __name__ == "__main__":
    import jax
    _d = setup_inputs()
    print(jax.jit(kernel)(*tuple(_d.values())))

</pallas_src>

<mosaic_0001>
#map = affine_map<(d0, d1) -> (0, 0)>
#map1 = affine_map<(d0, d1) -> (0, 0, 0)>
module attributes {stable_mosaic.version = 14 : i64} {
  func.func @k(%arg0: i32, %arg1: i32, %arg2: memref<10240x24xf32, #tpu.memory_space<hbm>>, %arg3: memref<32x125x80xi32, #tpu.memory_space<hbm>>, %arg4: memref<32x125x80xi32, #tpu.memory_space<hbm>>, %arg5: memref<10240x24xf32, #tpu.memory_space<hbm>>, %arg6: memref<2x10240x24xf32, #tpu.memory_space<hbm>>, %arg7: memref<125x80xi32, #tpu.memory_space<vmem>>, %arg8: memref<125x80xi32, #tpu.memory_space<vmem>>, %arg9: memref<5x80x24xf32, #tpu.memory_space<vmem>>, %arg10: memref<10240x24xf32, #tpu.memory_space<vmem_shared>>, %arg11: memref<10240x24xf32, #tpu.memory_space<vmem_shared>>, %arg12: memref<5x!tpu.dma_semaphore, #tpu.memory_space<semaphore_mem>>, %arg13: memref<5x!tpu.dma_semaphore, #tpu.memory_space<semaphore_mem>>) attributes {dimension_semantics = [#tpu.dimension_semantics<core_parallel>, #tpu.dimension_semantics<subcore_parallel>], iteration_bounds = array<i64: 2, 16>, scalar_prefetch = 0 : i64, scratch_operands = 7 : i64, tpu.core_type = #tpu.core_type<sc_vector_subcore>, window_params = [{transform_indices = #map}, {transform_indices = #map1}, {transform_indices = #map1}, {transform_indices = #map}, {transform_indices = #map1}]} {
    %mul3A = arith.constant 2 : i32
    %mul3A_0 = arith.muli %arg1, %mul3A : i32
    %add3A = arith.addi %mul3A_0, %arg0 : i32
    %mul3A_1 = arith.constant 640 : i32
    %mul3A_2 = arith.muli %arg1, %mul3A_1 : i32
    %mul3A_3 = arith.constant 640 : i32
    %mul3A_4 = arith.muli %arg1, %mul3A_3 : i32
    "tpu.region"() ({
      %run_scoped3A = tpu.sem_alloc : memref<!tpu.dma_semaphore, #tpu.memory_space<semaphore_mem>>
      %dma_start3A_88 = arith.constant 0 : i32
      %dma_start3A_89 = tpu.memref_slice %arg10[%mul3A_4, %dma_start3A_88] : memref<10240x24xf32, #tpu.memory_space<vmem_shared>> -> memref<640x24xf32, #tpu.memory_space<vmem_shared>>
      %dma_start3A_90 = arith.constant 0 : i32
      %dma_start3A_91 = tpu.memref_slice %arg5[%mul3A_2, %dma_start3A_90] : memref<10240x24xf32, #tpu.memory_space<hbm>> -> memref<640x24xf32, #tpu.memory_space<hbm>>
      tpu.enqueue_dma source(%dma_start3A_91 : memref<640x24xf32, #tpu.memory_space<hbm>>) target(%dma_start3A_89 : memref<640x24xf32, #tpu.memory_space<vmem_shared>>) target_semaphore(%run_scoped3A : memref<!tpu.dma_semaphore, #tpu.memory_space<semaphore_mem>>)
      %dma_wait3A = arith.constant 0 : i32
      %dma_wait3A_92 = tpu.memref_slice %arg10[%mul3A_4, %dma_wait3A] : memref<10240x24xf32, #tpu.memory_space<vmem_shared>> -> memref<640x24xf32, #tpu.memory_space<vmem_shared>>
      %dma_wait3A_93 = arith.constant 0 : i32
      %dma_wait3A_94 = tpu.memref_slice %arg5[%mul3A_2, %dma_wait3A_93] : memref<10240x24xf32, #tpu.memory_space<hbm>> -> memref<640x24xf32, #tpu.memory_space<hbm>>
      tpu.wait_dma2 semaphore(%run_scoped3A : memref<!tpu.dma_semaphore, #tpu.memory_space<semaphore_mem>>) src(%dma_wait3A_94 : memref<640x24xf32, #tpu.memory_space<hbm>>) dst(%dma_wait3A_92 : memref<640x24xf32, #tpu.memory_space<vmem_shared>>)
      tpu.yield
    }) : () -> ()
    "tpu.region"() ({
      %run_scoped3A = tpu.sem_alloc : memref<!tpu.dma_semaphore, #tpu.memory_space<semaphore_mem>>
      %dma_start3A_88 = arith.constant 0 : i32
      %dma_start3A_89 = arith.constant 0 : i32
      %dma_start3A_90 = tpu.memref_slice %arg3[%add3A, %dma_start3A_88, %dma_start3A_89] : memref<32x125x80xi32, #tpu.memory_space<hbm>> -> memref<1x125x80xi32, #tpu.memory_space<hbm>>
      %dma_start3A_91 = tpu.memref_squeeze %dma_start3A_90 : memref<1x125x80xi32, #tpu.memory_space<hbm>> -> memref<125x80xi32, #tpu.memory_space<hbm>>
      %dma_start3A_92 = arith.constant 0 : i32
      %dma_start3A_93 = arith.constant 0 : i32
      %dma_start3A_94 = tpu.memref_slice %arg3[%add3A, %dma_start3A_92, %dma_start3A_93] : memref<32x125x80xi32, #tpu.memory_space<hbm>> -> memref<1x125x80xi32, #tpu.memory_space<hbm>>
      %dma_start3A_95 = tpu.memref_squeeze %dma_start3A_94 : memref<1x125x80xi32, #tpu.memory_space<hbm>> -> memref<125x80xi32, #tpu.memory_space<hbm>>
      tpu.enqueue_dma source(%dma_start3A_95 : memref<125x80xi32, #tpu.memory_space<hbm>>) target(%arg7 : memref<125x80xi32, #tpu.memory_space<vmem>>) target_semaphore(%run_scoped3A : memref<!tpu.dma_semaphore, #tpu.memory_space<semaphore_mem>>)
      %dma_wait3A = arith.constant 0 : i32
      %dma_wait3A_96 = arith.constant 0 : i32
      %dma_wait3A_97 = tpu.memref_slice %arg3[%add3A, %dma_wait3A, %dma_wait3A_96] : memref<32x125x80xi32, #tpu.memory_space<hbm>> -> memref<1x125x80xi32, #tpu.memory_space<hbm>>
      %dma_wait3A_98 = tpu.memref_squeeze %dma_wait3A_97 : memref<1x125x80xi32, #tpu.memory_space<hbm>> -> memref<125x80xi32, #tpu.memory_space<hbm>>
      %dma_wait3A_99 = arith.constant 0 : i32
      %dma_wait3A_100 = arith.constant 0 : i32
      %dma_wait3A_101 = tpu.memref_slice %arg3[%add3A, %dma_wait3A_99, %dma_wait3A_100] : memref<32x125x80xi32, #tpu.memory_space<hbm>> -> memref<1x125x80xi32, #tpu.memory_space<hbm>>
      %dma_wait3A_102 = tpu.memref_squeeze %dma_wait3A_101 : memref<1x125x80xi32, #tpu.memory_space<hbm>> -> memref<125x80xi32, #tpu.memory_space<hbm>>
      tpu.wait_dma2 semaphore(%run_scoped3A : memref<!tpu.dma_semaphore, #tpu.memory_space<semaphore_mem>>) src(%dma_wait3A_102 : memref<125x80xi32, #tpu.memory_space<hbm>>) dst(%arg7 : memref<125x80xi32, #tpu.memory_space<vmem>>)
      tpu.yield
    }) : () -> ()
    "tpu.region"() ({
      %run_scoped3A = tpu.sem_alloc : memref<!tpu.dma_semaphore, #tpu.memory_space<semaphore_mem>>
      %dma_start3A_88 = arith.constant 0 : i32
      %dma_start3A_89 = arith.constant 0 : i32
      %dma_start3A_90 = tpu.memref_slice %arg4[%add3A, %dma_start3A_88, %dma_start3A_89] : memref<32x125x80xi32, #tpu.memory_space<hbm>> -> memref<1x125x80xi32, #tpu.memory_space<hbm>>
      %dma_start3A_91 = tpu.memref_squeeze %dma_start3A_90 : memref<1x125x80xi32, #tpu.memory_space<hbm>> -> memref<125x80xi32, #tpu.memory_space<hbm>>
      %dma_start3A_92 = arith.constant 0 : i32
      %dma_start3A_93 = arith.constant 0 : i32
      %dma_start3A_94 = tpu.memref_slice %arg4[%add3A, %dma_start3A_92, %dma_start3A_93] : memref<32x125x80xi32, #tpu.memory_space<hbm>> -> memref<1x125x80xi32, #tpu.memory_space<hbm>>
      %dma_start3A_95 = tpu.memref_squeeze %dma_start3A_94 : memref<1x125x80xi32, #tpu.memory_space<hbm>> -> memref<125x80xi32, #tpu.memory_space<hbm>>
      tpu.enqueue_dma source(%dma_start3A_95 : memref<125x80xi32, #tpu.memory_space<hbm>>) target(%arg8 : memref<125x80xi32, #tpu.memory_space<vmem>>) target_semaphore(%run_scoped3A : memref<!tpu.dma_semaphore, #tpu.memory_space<semaphore_mem>>)
      %dma_wait3A = arith.constant 0 : i32
      %dma_wait3A_96 = arith.constant 0 : i32
      %dma_wait3A_97 = tpu.memref_slice %arg4[%add3A, %dma_wait3A, %dma_wait3A_96] : memref<32x125x80xi32, #tpu.memory_space<hbm>> -> memref<1x125x80xi32, #tpu.memory_space<hbm>>
      %dma_wait3A_98 = tpu.memref_squeeze %dma_wait3A_97 : memref<1x125x80xi32, #tpu.memory_space<hbm>> -> memref<125x80xi32, #tpu.memory_space<hbm>>
      %dma_wait3A_99 = arith.constant 0 : i32
      %dma_wait3A_100 = arith.constant 0 : i32
      %dma_wait3A_101 = tpu.memref_slice %arg4[%add3A, %dma_wait3A_99, %dma_wait3A_100] : memref<32x125x80xi32, #tpu.memory_space<hbm>> -> memref<1x125x80xi32, #tpu.memory_space<hbm>>
      %dma_wait3A_102 = tpu.memref_squeeze %dma_wait3A_101 : memref<1x125x80xi32, #tpu.memory_space<hbm>> -> memref<125x80xi32, #tpu.memory_space<hbm>>
      tpu.wait_dma2 semaphore(%run_scoped3A : memref<!tpu.dma_semaphore, #tpu.memory_space<semaphore_mem>>) src(%dma_wait3A_102 : memref<125x80xi32, #tpu.memory_space<hbm>>) dst(%arg8 : memref<125x80xi32, #tpu.memory_space<vmem>>)
      tpu.yield
    }) : () -> ()
    %barrier3A = arith.constant 0 : index
    tpu.barrier barrier_id(%barrier3A)
    %dma_start3A = arith.constant 0 : i32
    %dma_start3A_5 = arith.constant 0 : i32
    %dma_start3A_6 = arith.constant 0 : i32
    %dma_start3A_7 = arith.constant 0 : i32
    %dma_start3A_8 = arith.constant 0 : i32
    %dma_start3A_9 = tpu.memref_slice %arg9[%dma_start3A_5, %dma_start3A_7, %dma_start3A_8] : memref<5x80x24xf32, #tpu.memory_space<vmem>> -> memref<1x80x24xf32, #tpu.memory_space<vmem>>
    %dma_start3A_10 = tpu.memref_squeeze %dma_start3A_9 : memref<1x80x24xf32, #tpu.memory_space<vmem>> -> memref<80x24xf32, #tpu.memory_space<vmem>>
    %dma_start3A_11 = arith.constant 0 : i32
    %dma_start3A_12 = tpu.memref_slice %arg7[%dma_start3A, %dma_start3A_11] : memref<125x80xi32, #tpu.memory_space<vmem>> -> memref<1x80xi32, #tpu.memory_space<vmem>>
    %dma_start3A_13 = tpu.memref_squeeze %dma_start3A_12 : memref<1x80xi32, #tpu.memory_space<vmem>> -> memref<80xi32, #tpu.memory_space<vmem>>
    %dma_start3A_14 = arith.constant 0 : i32
    %dma_start3A_15 = arith.constant 0 : i32
    %dma_start3A_16 = tpu.memref_slice %arg2[%dma_start3A_14, %dma_start3A_15] : memref<10240x24xf32, #tpu.memory_space<hbm>> -> memref<10240x24xf32, #tpu.memory_space<hbm>>
    %dma_start3A_17 = tpu.memref_slice %arg12[%dma_start3A_6] : memref<5x!tpu.dma_semaphore, #tpu.memory_space<semaphore_mem>> -> memref<1x!tpu.dma_semaphore, #tpu.memory_space<semaphore_mem>>
    %dma_start3A_18 = tpu.memref_squeeze %dma_start3A_17 : memref<1x!tpu.dma_semaphore, #tpu.memory_space<semaphore_mem>> -> memref<!tpu.dma_semaphore, #tpu.memory_space<semaphore_mem>>
    tpu.enqueue_indirect_dma source(%dma_start3A_16 : memref<10240x24xf32, #tpu.memory_space<hbm>>) target(%dma_start3A_10 : memref<80x24xf32, #tpu.memory_space<vmem>>) offsets(%dma_start3A_13 : memref<80xi32, #tpu.memory_space<vmem>>) semaphore(%dma_start3A_18 : memref<!tpu.dma_semaphore, #tpu.memory_space<semaphore_mem>>)
    %dma_start3A_19 = arith.constant 1 : i32
    %dma_start3A_20 = arith.constant 1 : i32
    %dma_start3A_21 = arith.constant 1 : i32
    %dma_start3A_22 = arith.constant 0 : i32
    %dma_start3A_23 = arith.constant 0 : i32
    %dma_start3A_24 = tpu.memref_slice %arg9[%dma_start3A_20, %dma_start3A_22, %dma_start3A_23] : memref<5x80x24xf32, #tpu.memory_space<vmem>> -> memref<1x80x24xf32, #tpu.memory_space<vmem>>
    %dma_start3A_25 = tpu.memref_squeeze %dma_start3A_24 : memref<1x80x24xf32, #tpu.memory_space<vmem>> -> memref<80x24xf32, #tpu.memory_space<vmem>>
    %dma_start3A_26 = arith.constant 0 : i32
    %dma_start3A_27 = tpu.memref_slice %arg7[%dma_start3A_19, %dma_start3A_26] : memref<125x80xi32, #tpu.memory_space<vmem>> -> memref<1x80xi32, #tpu.memory_space<vmem>>
    %dma_start3A_28 = tpu.memref_squeeze %dma_start3A_27 : memref<1x80xi32, #tpu.memory_space<vmem>> -> memref<80xi32, #tpu.memory_space<vmem>>
    %dma_start3A_29 = arith.constant 0 : i32
    %dma_start3A_30 = arith.constant 0 : i32
    %dma_start3A_31 = tpu.memref_slice %arg2[%dma_start3A_29, %dma_start3A_30] : memref<10240x24xf32, #tpu.memory_space<hbm>> -> memref<10240x24xf32, #tpu.memory_space<hbm>>
    %dma_start3A_32 = tpu.memref_slice %arg12[%dma_start3A_21] : memref<5x!tpu.dma_semaphore, #tpu.memory_space<semaphore_mem>> -> memref<1x!tpu.dma_semaphore, #tpu.memory_space<semaphore_mem>>
    %dma_start3A_33 = tpu.memref_squeeze %dma_start3A_32 : memref<1x!tpu.dma_semaphore, #tpu.memory_space<semaphore_mem>> -> memref<!tpu.dma_semaphore, #tpu.memory_space<semaphore_mem>>
    tpu.enqueue_indirect_dma source(%dma_start3A_31 : memref<10240x24xf32, #tpu.memory_space<hbm>>) target(%dma_start3A_25 : memref<80x24xf32, #tpu.memory_space<vmem>>) offsets(%dma_start3A_28 : memref<80xi32, #tpu.memory_space<vmem>>) semaphore(%dma_start3A_33 : memref<!tpu.dma_semaphore, #tpu.memory_space<semaphore_mem>>)
    %dma_start3A_34 = arith.constant 2 : i32
    %dma_start3A_35 = arith.constant 2 : i32
    %dma_start3A_36 = arith.constant 2 : i32
    %dma_start3A_37 = arith.constant 0 : i32
    %dma_start3A_38 = arith.constant 0 : i32
    %dma_start3A_39 = tpu.memref_slice %arg9[%dma_start3A_35, %dma_start3A_37, %dma_start3A_38] : memref<5x80x24xf32, #tpu.memory_space<vmem>> -> memref<1x80x24xf32, #tpu.memory_space<vmem>>
    %dma_start3A_40 = tpu.memref_squeeze %dma_start3A_39 : memref<1x80x24xf32, #tpu.memory_space<vmem>> -> memref<80x24xf32, #tpu.memory_space<vmem>>
    %dma_start3A_41 = arith.constant 0 : i32
    %dma_start3A_42 = tpu.memref_slice %arg7[%dma_start3A_34, %dma_start3A_41] : memref<125x80xi32, #tpu.memory_space<vmem>> -> memref<1x80xi32, #tpu.memory_space<vmem>>
    %dma_start3A_43 = tpu.memref_squeeze %dma_start3A_42 : memref<1x80xi32, #tpu.memory_space<vmem>> -> memref<80xi32, #tpu.memory_space<vmem>>
    %dma_start3A_44 = arith.constant 0 : i32
    %dma_start3A_45 = arith.constant 0 : i32
    %dma_start3A_46 = tpu.memref_slice %arg2[%dma_start3A_44, %dma_start3A_45] : memref<10240x24xf32, #tpu.memory_space<hbm>> -> memref<10240x24xf32, #tpu.memory_space<hbm>>
    %dma_start3A_47 = tpu.memref_slice %arg12[%dma_start3A_36] : memref<5x!tpu.dma_semaphore, #tpu.memory_space<semaphore_mem>> -> memref<1x!tpu.dma_semaphore, #tpu.memory_space<semaphore_mem>>
    %dma_start3A_48 = tpu.memref_squeeze %dma_start3A_47 : memref<1x!tpu.dma_semaphore, #tpu.memory_space<semaphore_mem>> -> memref<!tpu.dma_semaphore, #tpu.memory_space<semaphore_mem>>
    tpu.enqueue_indirect_dma source(%dma_start3A_46 : memref<10240x24xf32, #tpu.memory_space<hbm>>) target(%dma_start3A_40 : memref<80x24xf32, #tpu.memory_space<vmem>>) offsets(%dma_start3A_43 : memref<80xi32, #tpu.memory_space<vmem>>) semaphore(%dma_start3A_48 : memref<!tpu.dma_semaphore, #tpu.memory_space<semaphore_mem>>)
    %dma_start3A_49 = arith.constant 3 : i32
    %dma_start3A_50 = arith.constant 3 : i32
    %dma_start3A_51 = arith.constant 3 : i32
    %dma_start3A_52 = arith.constant 0 : i32
    %dma_start3A_53 = arith.constant 0 : i32
    %dma_start3A_54 = tpu.memref_slice %arg9[%dma_start3A_50, %dma_start3A_52, %dma_start3A_53] : memref<5x80x24xf32, #tpu.memory_space<vmem>> -> memref<1x80x24xf32, #tpu.memory_space<vmem>>
    %dma_start3A_55 = tpu.memref_squeeze %dma_start3A_54 : memref<1x80x24xf32, #tpu.memory_space<vmem>> -> memref<80x24xf32, #tpu.memory_space<vmem>>
    %dma_start3A_56 = arith.constant 0 : i32
    %dma_start3A_57 = tpu.memref_slice %arg7[%dma_start3A_49, %dma_start3A_56] : memref<125x80xi32, #tpu.memory_space<vmem>> -> memref<1x80xi32, #tpu.memory_space<vmem>>
    %dma_start3A_58 = tpu.memref_squeeze %dma_start3A_57 : memref<1x80xi32, #tpu.memory_space<vmem>> -> memref<80xi32, #tpu.memory_space<vmem>>
    %dma_start3A_59 = arith.constant 0 : i32
    %dma_start3A_60 = arith.constant 0 : i32
    %dma_start3A_61 = tpu.memref_slice %arg2[%dma_start3A_59, %dma_start3A_60] : memref<10240x24xf32, #tpu.memory_space<hbm>> -> memref<10240x24xf32, #tpu.memory_space<hbm>>
    %dma_start3A_62 = tpu.memref_slice %arg12[%dma_start3A_51] : memref<5x!tpu.dma_semaphore, #tpu.memory_space<semaphore_mem>> -> memref<1x!tpu.dma_semaphore, #tpu.memory_space<semaphore_mem>>
    %dma_start3A_63 = tpu.memref_squeeze %dma_start3A_62 : memref<1x!tpu.dma_semaphore, #tpu.memory_space<semaphore_mem>> -> memref<!tpu.dma_semaphore, #tpu.memory_space<semaphore_mem>>
    tpu.enqueue_indirect_dma source(%dma_start3A_61 : memref<10240x24xf32, #tpu.memory_space<hbm>>) target(%dma_start3A_55 : memref<80x24xf32, #tpu.memory_space<vmem>>) offsets(%dma_start3A_58 : memref<80xi32, #tpu.memory_space<vmem>>) semaphore(%dma_start3A_63 : memref<!tpu.dma_semaphore, #tpu.memory_space<semaphore_mem>>)
    %dma_start3A_64 = arith.constant 4 : i32
    %dma_start3A_65 = arith.constant 4 : i32
    %dma_start3A_66 = arith.constant 4 : i32
    %dma_start3A_67 = arith.constant 0 : i32
    %dma_start3A_68 = arith.constant 0 : i32
    %dma_start3A_69 = tpu.memref_slice %arg9[%dma_start3A_65, %dma_start3A_67, %dma_start3A_68] : memref<5x80x24xf32, #tpu.memory_space<vmem>> -> memref<1x80x24xf32, #tpu.memory_space<vmem>>
    %dma_start3A_70 = tpu.memref_squeeze %dma_start3A_69 : memref<1x80x24xf32, #tpu.memory_space<vmem>> -> memref<80x24xf32, #tpu.memory_space<vmem>>
    %dma_start3A_71 = arith.constant 0 : i32
    %dma_start3A_72 = tpu.memref_slice %arg7[%dma_start3A_64, %dma_start3A_71] : memref<125x80xi32, #tpu.memory_space<vmem>> -> memref<1x80xi32, #tpu.memory_space<vmem>>
    %dma_start3A_73 = tpu.memref_squeeze %dma_start3A_72 : memref<1x80xi32, #tpu.memory_space<vmem>> -> memref<80xi32, #tpu.memory_space<vmem>>
    %dma_start3A_74 = arith.constant 0 : i32
    %dma_start3A_75 = arith.constant 0 : i32
    %dma_start3A_76 = tpu.memref_slice %arg2[%dma_start3A_74, %dma_start3A_75] : memref<10240x24xf32, #tpu.memory_space<hbm>> -> memref<10240x24xf32, #tpu.memory_space<hbm>>
    %dma_start3A_77 = tpu.memref_slice %arg12[%dma_start3A_66] : memref<5x!tpu.dma_semaphore, #tpu.memory_space<semaphore_mem>> -> memref<1x!tpu.dma_semaphore, #tpu.memory_space<semaphore_mem>>
    %dma_start3A_78 = tpu.memref_squeeze %dma_start3A_77 : memref<1x!tpu.dma_semaphore, #tpu.memory_space<semaphore_mem>> -> memref<!tpu.dma_semaphore, #tpu.memory_space<semaphore_mem>>
    tpu.enqueue_indirect_dma source(%dma_start3A_76 : memref<10240x24xf32, #tpu.memory_space<hbm>>) target(%dma_start3A_70 : memref<80x24xf32, #tpu.memory_space<vmem>>) offsets(%dma_start3A_73 : memref<80xi32, #tpu.memory_space<vmem>>) semaphore(%dma_start3A_78 : memref<!tpu.dma_semaphore, #tpu.memory_space<semaphore_mem>>)
    %scan3A = arith.constant 0 : i32
    %scan3A_79 = arith.constant 25 : i32
    %scan3A_80 = arith.addi %scan3A, %scan3A_79 : i32
    %scan3A_81 = arith.constant 1 : i32
    scf.for %scan3A_88 = %scan3A to %scan3A_80 step %scan3A_81  : i32 {
      %mul3A_89 = arith.constant 5 : i32
      %mul3A_90 = arith.muli %scan3A_88, %mul3A_89 : i32
      %add3A_91 = arith.constant 0 : i32
      %add3A_92 = arith.addi %add3A_91, %mul3A_90 : i32
      %add3A_93 = arith.constant 0 : i32
      %add3A_94 = arith.addi %add3A_92, %add3A_93 : i32
      %dma_wait3A = arith.constant 0 : i32
      %dma_wait3A_95 = arith.constant 0 : i32
      %dma_wait3A_96 = arith.constant 0 : i32
      %dma_wait3A_97 = arith.constant 0 : i32
      %dma_wait3A_98 = tpu.memref_slice %arg9[%dma_wait3A, %dma_wait3A_96, %dma_wait3A_97] : memref<5x80x24xf32, #tpu.memory_space<vmem>> -> memref<1x80x24xf32, #tpu.memory_space<vmem>>
      %dma_wait3A_99 = tpu.memref_squeeze %dma_wait3A_98 : memref<1x80x24xf32, #tpu.memory_space<vmem>> -> memref<80x24xf32, #tpu.memory_space<vmem>>
      %dma_wait3A_100 = arith.constant 0 : i32
      %dma_wait3A_101 = tpu.memref_slice %arg7[%add3A_94, %dma_wait3A_100] : memref<125x80xi32, #tpu.memory_space<vmem>> -> memref<1x80xi32, #tpu.memory_space<vmem>>
      %dma_wait3A_102 = tpu.memref_squeeze %dma_wait3A_101 : memref<1x80xi32, #tpu.memory_space<vmem>> -> memref<80xi32, #tpu.memory_space<vmem>>
      %dma_wait3A_103 = arith.constant 0 : i32
      %dma_wait3A_104 = arith.constant 0 : i32
      %dma_wait3A_105 = tpu.memref_slice %arg2[%dma_wait3A_103, %dma_wait3A_104] : memref<10240x24xf32, #tpu.memory_space<hbm>> -> memref<10240x24xf32, #tpu.memory_space<hbm>>
      %dma_wait3A_106 = tpu.memref_slice %arg12[%dma_wait3A_95] : memref<5x!tpu.dma_semaphore, #tpu.memory_space<semaphore_mem>> -> memref<1x!tpu.dma_semaphore, #tpu.memory_space<semaphore_mem>>
      %dma_wait3A_107 = tpu.memref_squeeze %dma_wait3A_106 : memref<1x!tpu.dma_semaphore, #tpu.memory_space<semaphore_mem>> -> memref<!tpu.dma_semaphore, #tpu.memory_space<semaphore_mem>>
      tpu.wait_indirect_dma semaphore(%dma_wait3A_107 : memref<!tpu.dma_semaphore, #tpu.memory_space<semaphore_mem>>) src(%dma_wait3A_105 : memref<10240x24xf32, #tpu.memory_space<hbm>>) dst(%dma_wait3A_99 : memref<80x24xf32, #tpu.memory_space<vmem>>)
      %add3A_108 = arith.constant 0 : i32
      %add3A_109 = arith.addi %add3A_92, %add3A_108 : i32
      %dma_start3A_110 = arith.constant 0 : i32
      %dma_start3A_111 = arith.constant 0 : i32
      %dma_start3A_112 = arith.constant 0 : i32
      %dma_start3A_113 = arith.constant 0 : i32
      %dma_start3A_114 = tpu.memref_slice %arg9[%dma_start3A_110, %dma_start3A_112, %dma_start3A_113] : memref<5x80x24xf32, #tpu.memory_space<vmem>> -> memref<1x80x24xf32, #tpu.memory_space<vmem>>
      %dma_start3A_115 = tpu.memref_squeeze %dma_start3A_114 : memref<1x80x24xf32, #tpu.memory_space<vmem>> -> memref<80x24xf32, #tpu.memory_space<vmem>>
      %dma_start3A_116 = arith.constant 0 : i32
      %dma_start3A_117 = tpu.memref_slice %arg8[%add3A_109, %dma_start3A_116] : memref<125x80xi32, #tpu.memory_space<vmem>> -> memref<1x80xi32, #tpu.memory_space<vmem>>
      %dma_start3A_118 = tpu.memref_squeeze %dma_start3A_117 : memref<1x80xi32, #tpu.memory_space<vmem>> -> memref<80xi32, #tpu.memory_space<vmem>>
      %dma_start3A_119 = arith.constant 0 : i32
      %dma_start3A_120 = arith.constant 0 : i32
      %dma_start3A_121 = tpu.memref_slice %arg10[%dma_start3A_119, %dma_start3A_120] : memref<10240x24xf32, #tpu.memory_space<vmem_shared>> -> memref<10240x24xf32, #tpu.memory_space<vmem_shared>>
      %dma_start3A_122 = tpu.memref_slice %arg13[%dma_start3A_111] : memref<5x!tpu.dma_semaphore, #tpu.memory_space<semaphore_mem>> -> memref<1x!tpu.dma_semaphore, #tpu.memory_space<semaphore_mem>>
      %dma_start3A_123 = tpu.memref_squeeze %dma_start3A_122 : memref<1x!tpu.dma_semaphore, #tpu.memory_space<semaphore_mem>> -> memref<!tpu.dma_semaphore, #tpu.memory_space<semaphore_mem>>
      tpu.enqueue_indirect_dma source(%dma_start3A_115 : memref<80x24xf32, #tpu.memory_space<vmem>>) target(%dma_start3A_121 : memref<10240x24xf32, #tpu.memory_space<vmem_shared>>) offsets(%dma_start3A_118 : memref<80xi32, #tpu.memory_space<vmem>>) semaphore(%dma_start3A_123 : memref<!tpu.dma_semaphore, #tpu.memory_space<semaphore_mem>>) {add = true}
      %add3A_124 = arith.constant 1 : i32
      %add3A_125 = arith.addi %add3A_92, %add3A_124 : i32
      %dma_wait3A_126 = arith.constant 1 : i32
      %dma_wait3A_127 = arith.constant 1 : i32
      %dma_wait3A_128 = arith.constant 0 : i32
      %dma_wait3A_129 = arith.constant 0 : i32
      %dma_wait3A_130 = tpu.memref_slice %arg9[%dma_wait3A_126, %dma_wait3A_128, %dma_wait3A_129] : memref<5x80x24xf32, #tpu.memory_space<vmem>> -> memref<1x80x24xf32, #tpu.memory_space<vmem>>
      %dma_wait3A_131 = tpu.memref_squeeze %dma_wait3A_130 : memref<1x80x24xf32, #tpu.memory_space<vmem>> -> memref<80x24xf32, #tpu.memory_space<vmem>>
      %dma_wait3A_132 = arith.constant 0 : i32
      %dma_wait3A_133 = tpu.memref_slice %arg7[%add3A_125, %dma_wait3A_132] : memref<125x80xi32, #tpu.memory_space<vmem>> -> memref<1x80xi32, #tpu.memory_space<vmem>>
      %dma_wait3A_134 = tpu.memref_squeeze %dma_wait3A_133 : memref<1x80xi32, #tpu.memory_space<vmem>> -> memref<80xi32, #tpu.memory_space<vmem>>
      %dma_wait3A_135 = arith.constant 0 : i32
      %dma_wait3A_136 = arith.constant 0 : i32
      %dma_wait3A_137 = tpu.memref_slice %arg2[%dma_wait3A_135, %dma_wait3A_136] : memref<10240x24xf32, #tpu.memory_space<hbm>> -> memref<10240x24xf32, #tpu.memory_space<hbm>>
      %dma_wait3A_138 = tpu.memref_slice %arg12[%dma_wait3A_127] : memref<5x!tpu.dma_semaphore, #tpu.memory_space<semaphore_mem>> -> memref<1x!tpu.dma_semaphore, #tpu.memory_space<semaphore_mem>>
      %dma_wait3A_139 = tpu.memref_squeeze %dma_wait3A_138 : memref<1x!tpu.dma_semaphore, #tpu.memory_space<semaphore_mem>> -> memref<!tpu.dma_semaphore, #tpu.memory_space<semaphore_mem>>
      tpu.wait_indirect_dma semaphore(%dma_wait3A_139 : memref<!tpu.dma_semaphore, #tpu.memory_space<semaphore_mem>>) src(%dma_wait3A_137 : memref<10240x24xf32, #tpu.memory_space<hbm>>) dst(%dma_wait3A_131 : memref<80x24xf32, #tpu.memory_space<vmem>>)
      %add3A_140 = arith.constant 1 : i32
      %add3A_141 = arith.addi %add3A_92, %add3A_140 : i32
      %dma_start3A_142 = arith.constant 1 : i32
      %dma_start3A_143 = arith.constant 1 : i32
      %dma_start3A_144 = arith.constant 0 : i32
      %dma_start3A_145 = arith.constant 0 : i32
      %dma_start3A_146 = tpu.memref_slice %arg9[%dma_start3A_142, %dma_start3A_144, %dma_start3A_145] : memref<5x80x24xf32, #tpu.memory_space<vmem>> -> memref<1x80x24xf32, #tpu.memory_space<vmem>>
      %dma_start3A_147 = tpu.memref_squeeze %dma_start3A_146 : memref<1x80x24xf32, #tpu.memory_space<vmem>> -> memref<80x24xf32, #tpu.memory_space<vmem>>
      %dma_start3A_148 = arith.constant 0 : i32
      %dma_start3A_149 = tpu.memref_slice %arg8[%add3A_141, %dma_start3A_148] : memref<125x80xi32, #tpu.memory_space<vmem>> -> memref<1x80xi32, #tpu.memory_space<vmem>>
      %dma_start3A_150 = tpu.memref_squeeze %dma_start3A_149 : memref<1x80xi32, #tpu.memory_space<vmem>> -> memref<80xi32, #tpu.memory_space<vmem>>
      %dma_start3A_151 = arith.constant 0 : i32
      %dma_start3A_152 = arith.constant 0 : i32
      %dma_start3A_153 = tpu.memref_slice %arg10[%dma_start3A_151, %dma_start3A_152] : memref<10240x24xf32, #tpu.memory_space<vmem_shared>> -> memref<10240x24xf32, #tpu.memory_space<vmem_shared>>
      %dma_start3A_154 = tpu.memref_slice %arg13[%dma_start3A_143] : memref<5x!tpu.dma_semaphore, #tpu.memory_space<semaphore_mem>> -> memref<1x!tpu.dma_semaphore, #tpu.memory_space<semaphore_mem>>
      %dma_start3A_155 = tpu.memref_squeeze %dma_start3A_154 : memref<1x!tpu.dma_semaphore, #tpu.memory_space<semaphore_mem>> -> memref<!tpu.dma_semaphore, #tpu.memory_space<semaphore_mem>>
      tpu.enqueue_indirect_dma source(%dma_start3A_147 : memref<80x24xf32, #tpu.memory_space<vmem>>) target(%dma_start3A_153 : memref<10240x24xf32, #tpu.memory_space<vmem_shared>>) offsets(%dma_start3A_150 : memref<80xi32, #tpu.memory_space<vmem>>) semaphore(%dma_start3A_155 : memref<!tpu.dma_semaphore, #tpu.memory_space<semaphore_mem>>) {add = true}
      %add3A_156 = arith.constant 2 : i32
      %add3A_157 = arith.addi %add3A_92, %add3A_156 : i32
      %dma_wait3A_158 = arith.constant 2 : i32
      %dma_wait3A_159 = arith.constant 2 : i32
      %dma_wait3A_160 = arith.constant 0 : i32
      %dma_wait3A_161 = arith.constant 0 : i32
      %dma_wait3A_162 = tpu.memref_slice %arg9[%dma_wait3A_158, %dma_wait3A_160, %dma_wait3A_161] : memref<5x80x24xf32, #tpu.memory_space<vmem>> -> memref<1x80x24xf32, #tpu.memory_space<vmem>>
      %dma_wait3A_163 = tpu.memref_squeeze %dma_wait3A_162 : memref<1x80x24xf32, #tpu.memory_space<vmem>> -> memref<80x24xf32, #tpu.memory_space<vmem>>
      %dma_wait3A_164 = arith.constant 0 : i32
      %dma_wait3A_165 = tpu.memref_slice %arg7[%add3A_157, %dma_wait3A_164] : memref<125x80xi32, #tpu.memory_space<vmem>> -> memref<1x80xi32, #tpu.memory_space<vmem>>
      %dma_wait3A_166 = tpu.memref_squeeze %dma_wait3A_165 : memref<1x80xi32, #tpu.memory_space<vmem>> -> memref<80xi32, #tpu.memory_space<vmem>>
      %dma_wait3A_167 = arith.constant 0 : i32
      %dma_wait3A_168 = arith.constant 0 : i32
      %dma_wait3A_169 = tpu.memref_slice %arg2[%dma_wait3A_167, %dma_wait3A_168] : memref<10240x24xf32, #tpu.memory_space<hbm>> -> memref<10240x24xf32, #tpu.memory_space<hbm>>
      %dma_wait3A_170 = tpu.memref_slice %arg12[%dma_wait3A_159] : memref<5x!tpu.dma_semaphore, #tpu.memory_space<semaphore_mem>> -> memref<1x!tpu.dma_semaphore, #tpu.memory_space<semaphore_mem>>
      %dma_wait3A_171 = tpu.memref_squeeze %dma_wait3A_170 : memref<1x!tpu.dma_semaphore, #tpu.memory_space<semaphore_mem>> -> memref<!tpu.dma_semaphore, #tpu.memory_space<semaphore_mem>>
      tpu.wait_indirect_dma semaphore(%dma_wait3A_171 : memref<!tpu.dma_semaphore, #tpu.memory_space<semaphore_mem>>) src(%dma_wait3A_169 : memref<10240x24xf32, #tpu.memory_space<hbm>>) dst(%dma_wait3A_163 : memref<80x24xf32, #tpu.memory_space<vmem>>)
      %add3A_172 = arith.constant 2 : i32
      %add3A_173 = arith.addi %add3A_92, %add3A_172 : i32
      %dma_start3A_174 = arith.constant 2 : i32
      %dma_start3A_175 = arith.constant 2 : i32
      %dma_start3A_176 = arith.constant 0 : i32
      %dma_start3A_177 = arith.constant 0 : i32
      %dma_start3A_178 = tpu.memref_slice %arg9[%dma_start3A_174, %dma_start3A_176, %dma_start3A_177] : memref<5x80x24xf32, #tpu.memory_space<vmem>> -> memref<1x80x24xf32, #tpu.memory_space<vmem>>
      %dma_start3A_179 = tpu.memref_squeeze %dma_start3A_178 : memref<1x80x24xf32, #tpu.memory_space<vmem>> -> memref<80x24xf32, #tpu.memory_space<vmem>>
      %dma_start3A_180 = arith.constant 0 : i32
      %dma_start3A_181 = tpu.memref_slice %arg8[%add3A_173, %dma_start3A_180] : memref<125x80xi32, #tpu.memory_space<vmem>> -> memref<1x80xi32, #tpu.memory_space<vmem>>
      %dma_start3A_182 = tpu.memref_squeeze %dma_start3A_181 : memref<1x80xi32, #tpu.memory_space<vmem>> -> memref<80xi32, #tpu.memory_space<vmem>>
      %dma_start3A_183 = arith.constant 0 : i32
      %dma_start3A_184 = arith.constant 0 : i32
      %dma_start3A_185 = tpu.memref_slice %arg10[%dma_start3A_183, %dma_start3A_184] : memref<10240x24xf32, #tpu.memory_space<vmem_shared>> -> memref<10240x24xf32, #tpu.memory_space<vmem_shared>>
      %dma_start3A_186 = tpu.memref_slice %arg13[%dma_start3A_175] : memref<5x!tpu.dma_semaphore, #tpu.memory_space<semaphore_mem>> -> memref<1x!tpu.dma_semaphore, #tpu.memory_space<semaphore_mem>>
      %dma_start3A_187 = tpu.memref_squeeze %dma_start3A_186 : memref<1x!tpu.dma_semaphore, #tpu.memory_space<semaphore_mem>> -> memref<!tpu.dma_semaphore, #tpu.memory_space<semaphore_mem>>
      tpu.enqueue_indirect_dma source(%dma_start3A_179 : memref<80x24xf32, #tpu.memory_space<vmem>>) target(%dma_start3A_185 : memref<10240x24xf32, #tpu.memory_space<vmem_shared>>) offsets(%dma_start3A_182 : memref<80xi32, #tpu.memory_space<vmem>>) semaphore(%dma_start3A_187 : memref<!tpu.dma_semaphore, #tpu.memory_space<semaphore_mem>>) {add = true}
      %add3A_188 = arith.constant 3 : i32
      %add3A_189 = arith.addi %add3A_92, %add3A_188 : i32
      %dma_wait3A_190 = arith.constant 3 : i32
      %dma_wait3A_191 = arith.constant 3 : i32
      %dma_wait3A_192 = arith.constant 0 : i32
      %dma_wait3A_193 = arith.constant 0 : i32
      %dma_wait3A_194 = tpu.memref_slice %arg9[%dma_wait3A_190, %dma_wait3A_192, %dma_wait3A_193] : memref<5x80x24xf32, #tpu.memory_space<vmem>> -> memref<1x80x24xf32, #tpu.memory_space<vmem>>
      %dma_wait3A_195 = tpu.memref_squeeze %dma_wait3A_194 : memref<1x80x24xf32, #tpu.memory_space<vmem>> -> memref<80x24xf32, #tpu.memory_space<vmem>>
      %dma_wait3A_196 = arith.constant 0 : i32
      %dma_wait3A_197 = tpu.memref_slice %arg7[%add3A_189, %dma_wait3A_196] : memref<125x80xi32, #tpu.memory_space<vmem>> -> memref<1x80xi32, #tpu.memory_space<vmem>>
      %dma_wait3A_198 = tpu.memref_squeeze %dma_wait3A_197 : memref<1x80xi32, #tpu.memory_space<vmem>> -> memref<80xi32, #tpu.memory_space<vmem>>
      %dma_wait3A_199 = arith.constant 0 : i32
      %dma_wait3A_200 = arith.constant 0 : i32
      %dma_wait3A_201 = tpu.memref_slice %arg2[%dma_wait3A_199, %dma_wait3A_200] : memref<10240x24xf32, #tpu.memory_space<hbm>> -> memref<10240x24xf32, #tpu.memory_space<hbm>>
      %dma_wait3A_202 = tpu.memref_slice %arg12[%dma_wait3A_191] : memref<5x!tpu.dma_semaphore, #tpu.memory_space<semaphore_mem>> -> memref<1x!tpu.dma_semaphore, #tpu.memory_space<semaphore_mem>>
      %dma_wait3A_203 = tpu.memref_squeeze %dma_wait3A_202 : memref<1x!tpu.dma_semaphore, #tpu.memory_space<semaphore_mem>> -> memref<!tpu.dma_semaphore, #tpu.memory_space<semaphore_mem>>
      tpu.wait_indirect_dma semaphore(%dma_wait3A_203 : memref<!tpu.dma_semaphore, #tpu.memory_space<semaphore_mem>>) src(%dma_wait3A_201 : memref<10240x24xf32, #tpu.memory_space<hbm>>) dst(%dma_wait3A_195 : memref<80x24xf32, #tpu.memory_space<vmem>>)
      %add3A_204 = arith.constant 3 : i32
      %add3A_205 = arith.addi %add3A_92, %add3A_204 : i32
      %dma_start3A_206 = arith.constant 3 : i32
      %dma_start3A_207 = arith.constant 3 : i32
      %dma_start3A_208 = arith.constant 0 : i32
      %dma_start3A_209 = arith.constant 0 : i32
      %dma_start3A_210 = tpu.memref_slice %arg9[%dma_start3A_206, %dma_start3A_208, %dma_start3A_209] : memref<5x80x24xf32, #tpu.memory_space<vmem>> -> memref<1x80x24xf32, #tpu.memory_space<vmem>>
      %dma_start3A_211 = tpu.memref_squeeze %dma_start3A_210 : memref<1x80x24xf32, #tpu.memory_space<vmem>> -> memref<80x24xf32, #tpu.memory_space<vmem>>
      %dma_start3A_212 = arith.constant 0 : i32
      %dma_start3A_213 = tpu.memref_slice %arg8[%add3A_205, %dma_start3A_212] : memref<125x80xi32, #tpu.memory_space<vmem>> -> memref<1x80xi32, #tpu.memory_space<vmem>>
      %dma_start3A_214 = tpu.memref_squeeze %dma_start3A_213 : memref<1x80xi32, #tpu.memory_space<vmem>> -> memref<80xi32, #tpu.memory_space<vmem>>
      %dma_start3A_215 = arith.constant 0 : i32
      %dma_start3A_216 = arith.constant 0 : i32
      %dma_start3A_217 = tpu.memref_slice %arg10[%dma_start3A_215, %dma_start3A_216] : memref<10240x24xf32, #tpu.memory_space<vmem_shared>> -> memref<10240x24xf32, #tpu.memory_space<vmem_shared>>
      %dma_start3A_218 = tpu.memref_slice %arg13[%dma_start3A_207] : memref<5x!tpu.dma_semaphore, #tpu.memory_space<semaphore_mem>> -> memref<1x!tpu.dma_semaphore, #tpu.memory_space<semaphore_mem>>
      %dma_start3A_219 = tpu.memref_squeeze %dma_start3A_218 : memref<1x!tpu.dma_semaphore, #tpu.memory_space<semaphore_mem>> -> memref<!tpu.dma_semaphore, #tpu.memory_space<semaphore_mem>>
      tpu.enqueue_indirect_dma source(%dma_start3A_211 : memref<80x24xf32, #tpu.memory_space<vmem>>) target(%dma_start3A_217 : memref<10240x24xf32, #tpu.memory_space<vmem_shared>>) offsets(%dma_start3A_214 : memref<80xi32, #tpu.memory_space<vmem>>) semaphore(%dma_start3A_219 : memref<!tpu.dma_semaphore, #tpu.memory_space<semaphore_mem>>) {add = true}
      %add3A_220 = arith.constant 4 : i32
      %add3A_221 = arith.addi %add3A_92, %add3A_220 : i32
      %dma_wait3A_222 = arith.constant 4 : i32
      %dma_wait3A_223 = arith.constant 4 : i32
      %dma_wait3A_224 = arith.constant 0 : i32
      %dma_wait3A_225 = arith.constant 0 : i32
      %dma_wait3A_226 = tpu.memref_slice %arg9[%dma_wait3A_222, %dma_wait3A_224, %dma_wait3A_225] : memref<5x80x24xf32, #tpu.memory_space<vmem>> -> memref<1x80x24xf32, #tpu.memory_space<vmem>>
      %dma_wait3A_227 = tpu.memref_squeeze %dma_wait3A_226 : memref<1x80x24xf32, #tpu.memory_space<vmem>> -> memref<80x24xf32, #tpu.memory_space<vmem>>
      %dma_wait3A_228 = arith.constant 0 : i32
      %dma_wait3A_229 = tpu.memref_slice %arg7[%add3A_221, %dma_wait3A_228] : memref<125x80xi32, #tpu.memory_space<vmem>> -> memref<1x80xi32, #tpu.memory_space<vmem>>
      %dma_wait3A_230 = tpu.memref_squeeze %dma_wait3A_229 : memref<1x80xi32, #tpu.memory_space<vmem>> -> memref<80xi32, #tpu.memory_space<vmem>>
      %dma_wait3A_231 = arith.constant 0 : i32
      %dma_wait3A_232 = arith.constant 0 : i32
      %dma_wait3A_233 = tpu.memref_slice %arg2[%dma_wait3A_231, %dma_wait3A_232] : memref<10240x24xf32, #tpu.memory_space<hbm>> -> memref<10240x24xf32, #tpu.memory_space<hbm>>
      %dma_wait3A_234 = tpu.memref_slice %arg12[%dma_wait3A_223] : memref<5x!tpu.dma_semaphore, #tpu.memory_space<semaphore_mem>> -> memref<1x!tpu.dma_semaphore, #tpu.memory_space<semaphore_mem>>
      %dma_wait3A_235 = tpu.memref_squeeze %dma_wait3A_234 : memref<1x!tpu.dma_semaphore, #tpu.memory_space<semaphore_mem>> -> memref<!tpu.dma_semaphore, #tpu.memory_space<semaphore_mem>>
      tpu.wait_indirect_dma semaphore(%dma_wait3A_235 : memref<!tpu.dma_semaphore, #tpu.memory_space<semaphore_mem>>) src(%dma_wait3A_233 : memref<10240x24xf32, #tpu.memory_space<hbm>>) dst(%dma_wait3A_227 : memref<80x24xf32, #tpu.memory_space<vmem>>)
      %add3A_236 = arith.constant 4 : i32
      %add3A_237 = arith.addi %add3A_92, %add3A_236 : i32
      %dma_start3A_238 = arith.constant 4 : i32
      %dma_start3A_239 = arith.constant 4 : i32
      %dma_start3A_240 = arith.constant 0 : i32
      %dma_start3A_241 = arith.constant 0 : i32
      %dma_start3A_242 = tpu.memref_slice %arg9[%dma_start3A_238, %dma_start3A_240, %dma_start3A_241] : memref<5x80x24xf32, #tpu.memory_space<vmem>> -> memref<1x80x24xf32, #tpu.memory_space<vmem>>
      %dma_start3A_243 = tpu.memref_squeeze %dma_start3A_242 : memref<1x80x24xf32, #tpu.memory_space<vmem>> -> memref<80x24xf32, #tpu.memory_space<vmem>>
      %dma_start3A_244 = arith.constant 0 : i32
      %dma_start3A_245 = tpu.memref_slice %arg8[%add3A_237, %dma_start3A_244] : memref<125x80xi32, #tpu.memory_space<vmem>> -> memref<1x80xi32, #tpu.memory_space<vmem>>
      %dma_start3A_246 = tpu.memref_squeeze %dma_start3A_245 : memref<1x80xi32, #tpu.memory_space<vmem>> -> memref<80xi32, #tpu.memory_space<vmem>>
      %dma_start3A_247 = arith.constant 0 : i32
      %dma_start3A_248 = arith.constant 0 : i32
      %dma_start3A_249 = tpu.memref_slice %arg10[%dma_start3A_247, %dma_start3A_248] : memref<10240x24xf32, #tpu.memory_space<vmem_shared>> -> memref<10240x24xf32, #tpu.memory_space<vmem_shared>>
      %dma_start3A_250 = tpu.memref_slice %arg13[%dma_start3A_239] : memref<5x!tpu.dma_semaphore, #tpu.memory_space<semaphore_mem>> -> memref<1x!tpu.dma_semaphore, #tpu.memory_space<semaphore_mem>>
      %dma_start3A_251 = tpu.memref_squeeze %dma_start3A_250 : memref<1x!tpu.dma_semaphore, #tpu.memory_space<semaphore_mem>> -> memref<!tpu.dma_semaphore, #tpu.memory_space<semaphore_mem>>
      tpu.enqueue_indirect_dma source(%dma_start3A_243 : memref<80x24xf32, #tpu.memory_space<vmem>>) target(%dma_start3A_249 : memref<10240x24xf32, #tpu.memory_space<vmem_shared>>) offsets(%dma_start3A_246 : memref<80xi32, #tpu.memory_space<vmem>>) semaphore(%dma_start3A_251 : memref<!tpu.dma_semaphore, #tpu.memory_space<semaphore_mem>>) {add = true}
      %add3A_252 = arith.constant 0 : i32
      %add3A_253 = arith.addi %add3A_92, %add3A_252 : i32
      %dma_wait3A_254 = arith.constant 0 : i32
      %dma_wait3A_255 = arith.constant 0 : i32
      %dma_wait3A_256 = arith.constant 0 : i32
      %dma_wait3A_257 = arith.constant 0 : i32
      %dma_wait3A_258 = tpu.memref_slice %arg9[%dma_wait3A_254, %dma_wait3A_256, %dma_wait3A_257] : memref<5x80x24xf32, #tpu.memory_space<vmem>> -> memref<1x80x24xf32, #tpu.memory_space<vmem>>
      %dma_wait3A_259 = tpu.memref_squeeze %dma_wait3A_258 : memref<1x80x24xf32, #tpu.memory_space<vmem>> -> memref<80x24xf32, #tpu.memory_space<vmem>>
      %dma_wait3A_260 = arith.constant 0 : i32
      %dma_wait3A_261 = tpu.memref_slice %arg8[%add3A_253, %dma_wait3A_260] : memref<125x80xi32, #tpu.memory_space<vmem>> -> memref<1x80xi32, #tpu.memory_space<vmem>>
      %dma_wait3A_262 = tpu.memref_squeeze %dma_wait3A_261 : memref<1x80xi32, #tpu.memory_space<vmem>> -> memref<80xi32, #tpu.memory_space<vmem>>
      %dma_wait3A_263 = arith.constant 0 : i32
      %dma_wait3A_264 = arith.constant 0 : i32
      %dma_wait3A_265 = tpu.memref_slice %arg10[%dma_wait3A_263, %dma_wait3A_264] : memref<10240x24xf32, #tpu.memory_space<vmem_shared>> -> memref<10240x24xf32, #tpu.memory_space<vmem_shared>>
      %dma_wait3A_266 = tpu.memref_slice %arg13[%dma_wait3A_255] : memref<5x!tpu.dma_semaphore, #tpu.memory_space<semaphore_mem>> -> memref<1x!tpu.dma_semaphore, #tpu.memory_space<semaphore_mem>>
      %dma_wait3A_267 = tpu.memref_squeeze %dma_wait3A_266 : memref<1x!tpu.dma_semaphore, #tpu.memory_space<semaphore_mem>> -> memref<!tpu.dma_semaphore, #tpu.memory_space<semaphore_mem>>
      tpu.wait_indirect_dma semaphore(%dma_wait3A_267 : memref<!tpu.dma_semaphore, #tpu.memory_space<semaphore_mem>>) src(%dma_wait3A_259 : memref<80x24xf32, #tpu.memory_space<vmem>>) dst(%dma_wait3A_265 : memref<10240x24xf32, #tpu.memory_space<vmem_shared>>)
      %add3A_268 = arith.constant 5 : i32
      %add3A_269 = arith.addi %add3A_92, %add3A_268 : i32
      %add3A_270 = arith.constant 0 : i32
      %add3A_271 = arith.addi %add3A_269, %add3A_270 : i32
      %lt3A = arith.constant 125 : i32
      %lt3A_272 = arith.cmpi slt, %add3A_271, %lt3A : i32
      %convert_element_type3A = arith.extui %lt3A_272 : i1 to i32
      %cond3A = arith.constant 0 : i32
      %cond3A_273 = arith.cmpi ne, %convert_element_type3A, %cond3A : i32
      scf.if %cond3A_273 {
        %dma_start3A_374 = arith.constant 0 : i32
        %dma_start3A_375 = arith.constant 0 : i32
        %dma_start3A_376 = arith.constant 0 : i32
        %dma_start3A_377 = arith.constant 0 : i32
        %dma_start3A_378 = tpu.memref_slice %arg9[%dma_start3A_374, %dma_start3A_376, %dma_start3A_377] : memref<5x80x24xf32, #tpu.memory_space<vmem>> -> memref<1x80x24xf32, #tpu.memory_space<vmem>>
        %dma_start3A_379 = tpu.memref_squeeze %dma_start3A_378 : memref<1x80x24xf32, #tpu.memory_space<vmem>> -> memref<80x24xf32, #tpu.memory_space<vmem>>
        %dma_start3A_380 = arith.constant 0 : i32
        %dma_start3A_381 = tpu.memref_slice %arg7[%add3A_271, %dma_start3A_380] : memref<125x80xi32, #tpu.memory_space<vmem>> -> memref<1x80xi32, #tpu.memory_space<vmem>>
        %dma_start3A_382 = tpu.memref_squeeze %dma_start3A_381 : memref<1x80xi32, #tpu.memory_space<vmem>> -> memref<80xi32, #tpu.memory_space<vmem>>
        %dma_start3A_383 = arith.constant 0 : i32
        %dma_start3A_384 = arith.constant 0 : i32
        %dma_start3A_385 = tpu.memref_slice %arg2[%dma_start3A_383, %dma_start3A_384] : memref<10240x24xf32, #tpu.memory_space<hbm>> -> memref<10240x24xf32, #tpu.memory_space<hbm>>
        %dma_start3A_386 = tpu.memref_slice %arg12[%dma_start3A_375] : memref<5x!tpu.dma_semaphore, #tpu.memory_space<semaphore_mem>> -> memref<1x!tpu.dma_semaphore, #tpu.memory_space<semaphore_mem>>
        %dma_start3A_387 = tpu.memref_squeeze %dma_start3A_386 : memref<1x!tpu.dma_semaphore, #tpu.memory_space<semaphore_mem>> -> memref<!tpu.dma_semaphore, #tpu.memory_space<semaphore_mem>>
        tpu.enqueue_indirect_dma source(%dma_start3A_385 : memref<10240x24xf32, #tpu.memory_space<hbm>>) target(%dma_start3A_379 : memref<80x24xf32, #tpu.memory_space<vmem>>) offsets(%dma_start3A_382 : memref<80xi32, #tpu.memory_space<vmem>>) semaphore(%dma_start3A_387 : memref<!tpu.dma_semaphore, #tpu.memory_space<semaphore_mem>>)
      } else {
      }
      %add3A_274 = arith.constant 1 : i32
      %add3A_275 = arith.addi %add3A_92, %add3A_274 : i32
      %dma_wait3A_276 = arith.constant 1 : i32
      %dma_wait3A_277 = arith.constant 1 : i32
      %dma_wait3A_278 = arith.constant 0 : i32
      %dma_wait3A_279 = arith.constant 0 : i32
      %dma_wait3A_280 = tpu.memref_slice %arg9[%dma_wait3A_276, %dma_wait3A_278, %dma_wait3A_279] : memref<5x80x24xf32, #tpu.memory_space<vmem>> -> memref<1x80x24xf32, #tpu.memory_space<vmem>>
      %dma_wait3A_281 = tpu.memref_squeeze %dma_wait3A_280 : memref<1x80x24xf32, #tpu.memory_space<vmem>> -> memref<80x24xf32, #tpu.memory_space<vmem>>
      %dma_wait3A_282 = arith.constant 0 : i32
      %dma_wait3A_283 = tpu.memref_slice %arg8[%add3A_275, %dma_wait3A_282] : memref<125x80xi32, #tpu.memory_space<vmem>> -> memref<1x80xi32, #tpu.memory_space<vmem>>
      %dma_wait3A_284 = tpu.memref_squeeze %dma_wait3A_283 : memref<1x80xi32, #tpu.memory_space<vmem>> -> memref<80xi32, #tpu.memory_space<vmem>>
      %dma_wait3A_285 = arith.constant 0 : i32
      %dma_wait3A_286 = arith.constant 0 : i32
      %dma_wait3A_287 = tpu.memref_slice %arg10[%dma_wait3A_285, %dma_wait3A_286] : memref<10240x24xf32, #tpu.memory_space<vmem_shared>> -> memref<10240x24xf32, #tpu.memory_space<vmem_shared>>
      %dma_wait3A_288 = tpu.memref_slice %arg13[%dma_wait3A_277] : memref<5x!tpu.dma_semaphore, #tpu.memory_space<semaphore_mem>> -> memref<1x!tpu.dma_semaphore, #tpu.memory_space<semaphore_mem>>
      %dma_wait3A_289 = tpu.memref_squeeze %dma_wait3A_288 : memref<1x!tpu.dma_semaphore, #tpu.memory_space<semaphore_mem>> -> memref<!tpu.dma_semaphore, #tpu.memory_space<semaphore_mem>>
      tpu.wait_indirect_dma semaphore(%dma_wait3A_289 : memref<!tpu.dma_semaphore, #tpu.memory_space<semaphore_mem>>) src(%dma_wait3A_281 : memref<80x24xf32, #tpu.memory_space<vmem>>) dst(%dma_wait3A_287 : memref<10240x24xf32, #tpu.memory_space<vmem_shared>>)
      %add3A_290 = arith.constant 5 : i32
      %add3A_291 = arith.addi %add3A_92, %add3A_290 : i32
      %add3A_292 = arith.constant 1 : i32
      %add3A_293 = arith.addi %add3A_291, %add3A_292 : i32
      %lt3A_294 = arith.constant 125 : i32
      %lt3A_295 = arith.cmpi slt, %add3A_293, %lt3A_294 : i32
      %convert_element_type3A_296 = arith.extui %lt3A_295 : i1 to i32
      %cond3A_297 = arith.constant 0 : i32
      %cond3A_298 = arith.cmpi ne, %convert_element_type3A_296, %cond3A_297 : i32
      scf.if %cond3A_298 {
        %dma_start3A_374 = arith.constant 1 : i32
        %dma_start3A_375 = arith.constant 1 : i32
        %dma_start3A_376 = arith.constant 0 : i32
        %dma_start3A_377 = arith.constant 0 : i32
        %dma_start3A_378 = tpu.memref_slice %arg9[%dma_start3A_374, %dma_start3A_376, %dma_start3A_377] : memref<5x80x24xf32, #tpu.memory_space<vmem>> -> memref<1x80x24xf32, #tpu.memory_space<vmem>>
        %dma_start3A_379 = tpu.memref_squeeze %dma_start3A_378 : memref<1x80x24xf32, #tpu.memory_space<vmem>> -> memref<80x24xf32, #tpu.memory_space<vmem>>
        %dma_start3A_380 = arith.constant 0 : i32
        %dma_start3A_381 = tpu.memref_slice %arg7[%add3A_293, %dma_start3A_380] : memref<125x80xi32, #tpu.memory_space<vmem>> -> memref<1x80xi32, #tpu.memory_space<vmem>>
        %dma_start3A_382 = tpu.memref_squeeze %dma_start3A_381 : memref<1x80xi32, #tpu.memory_space<vmem>> -> memref<80xi32, #tpu.memory_space<vmem>>
        %dma_start3A_383 = arith.constant 0 : i32
        %dma_start3A_384 = arith.constant 0 : i32
        %dma_start3A_385 = tpu.memref_slice %arg2[%dma_start3A_383, %dma_start3A_384] : memref<10240x24xf32, #tpu.memory_space<hbm>> -> memref<10240x24xf32, #tpu.memory_space<hbm>>
        %dma_start3A_386 = tpu.memref_slice %arg12[%dma_start3A_375] : memref<5x!tpu.dma_semaphore, #tpu.memory_space<semaphore_mem>> -> memref<1x!tpu.dma_semaphore, #tpu.memory_space<semaphore_mem>>
        %dma_start3A_387 = tpu.memref_squeeze %dma_start3A_386 : memref<1x!tpu.dma_semaphore, #tpu.memory_space<semaphore_mem>> -> memref<!tpu.dma_semaphore, #tpu.memory_space<semaphore_mem>>
        tpu.enqueue_indirect_dma source(%dma_start3A_385 : memref<10240x24xf32, #tpu.memory_space<hbm>>) target(%dma_start3A_379 : memref<80x24xf32, #tpu.memory_space<vmem>>) offsets(%dma_start3A_382 : memref<80xi32, #tpu.memory_space<vmem>>) semaphore(%dma_start3A_387 : memref<!tpu.dma_semaphore, #tpu.memory_space<semaphore_mem>>)
      } else {
      }
      %add3A_299 = arith.constant 2 : i32
      %add3A_300 = arith.addi %add3A_92, %add3A_299 : i32
      %dma_wait3A_301 = arith.constant 2 : i32
      %dma_wait3A_302 = arith.constant 2 : i32
      %dma_wait3A_303 = arith.constant 0 : i32
      %dma_wait3A_304 = arith.constant 0 : i32
      %dma_wait3A_305 = tpu.memref_slice %arg9[%dma_wait3A_301, %dma_wait3A_303, %dma_wait3A_304] : memref<5x80x24xf32, #tpu.memory_space<vmem>> -> memref<1x80x24xf32, #tpu.memory_space<vmem>>
      %dma_wait3A_306 = tpu.memref_squeeze %dma_wait3A_305 : memref<1x80x24xf32, #tpu.memory_space<vmem>> -> memref<80x24xf32, #tpu.memory_space<vmem>>
      %dma_wait3A_307 = arith.constant 0 : i32
      %dma_wait3A_308 = tpu.memref_slice %arg8[%add3A_300, %dma_wait3A_307] : memref<125x80xi32, #tpu.memory_space<vmem>> -> memref<1x80xi32, #tpu.memory_space<vmem>>
      %dma_wait3A_309 = tpu.memref_squeeze %dma_wait3A_308 : memref<1x80xi32, #tpu.memory_space<vmem>> -> memref<80xi32, #tpu.memory_space<vmem>>
      %dma_wait3A_310 = arith.constant 0 : i32
      %dma_wait3A_311 = arith.constant 0 : i32
      %dma_wait3A_312 = tpu.memref_slice %arg10[%dma_wait3A_310, %dma_wait3A_311] : memref<10240x24xf32, #tpu.memory_space<vmem_shared>> -> memref<10240x24xf32, #tpu.memory_space<vmem_shared>>
      %dma_wait3A_313 = tpu.memref_slice %arg13[%dma_wait3A_302] : memref<5x!tpu.dma_semaphore, #tpu.memory_space<semaphore_mem>> -> memref<1x!tpu.dma_semaphore, #tpu.memory_space<semaphore_mem>>
      %dma_wait3A_314 = tpu.memref_squeeze %dma_wait3A_313 : memref<1x!tpu.dma_semaphore, #tpu.memory_space<semaphore_mem>> -> memref<!tpu.dma_semaphore, #tpu.memory_space<semaphore_mem>>
      tpu.wait_indirect_dma semaphore(%dma_wait3A_314 : memref<!tpu.dma_semaphore, #tpu.memory_space<semaphore_mem>>) src(%dma_wait3A_306 : memref<80x24xf32, #tpu.memory_space<vmem>>) dst(%dma_wait3A_312 : memref<10240x24xf32, #tpu.memory_space<vmem_shared>>)
      %add3A_315 = arith.constant 5 : i32
      %add3A_316 = arith.addi %add3A_92, %add3A_315 : i32
      %add3A_317 = arith.constant 2 : i32
      %add3A_318 = arith.addi %add3A_316, %add3A_317 : i32
      %lt3A_319 = arith.constant 125 : i32
      %lt3A_320 = arith.cmpi slt, %add3A_318, %lt3A_319 : i32
      %convert_element_type3A_321 = arith.extui %lt3A_320 : i1 to i32
      %cond3A_322 = arith.constant 0 : i32
      %cond3A_323 = arith.cmpi ne, %convert_element_type3A_321, %cond3A_322 : i32
      scf.if %cond3A_323 {
        %dma_start3A_374 = arith.constant 2 : i32
        %dma_start3A_375 = arith.constant 2 : i32
        %dma_start3A_376 = arith.constant 0 : i32
        %dma_start3A_377 = arith.constant 0 : i32
        %dma_start3A_378 = tpu.memref_slice %arg9[%dma_start3A_374, %dma_start3A_376, %dma_start3A_377] : memref<5x80x24xf32, #tpu.memory_space<vmem>> -> memref<1x80x24xf32, #tpu.memory_space<vmem>>
        %dma_start3A_379 = tpu.memref_squeeze %dma_start3A_378 : memref<1x80x24xf32, #tpu.memory_space<vmem>> -> memref<80x24xf32, #tpu.memory_space<vmem>>
        %dma_start3A_380 = arith.constant 0 : i32
        %dma_start3A_381 = tpu.memref_slice %arg7[%add3A_318, %dma_start3A_380] : memref<125x80xi32, #tpu.memory_space<vmem>> -> memref<1x80xi32, #tpu.memory_space<vmem>>
        %dma_start3A_382 = tpu.memref_squeeze %dma_start3A_381 : memref<1x80xi32, #tpu.memory_space<vmem>> -> memref<80xi32, #tpu.memory_space<vmem>>
        %dma_start3A_383 = arith.constant 0 : i32
        %dma_start3A_384 = arith.constant 0 : i32
        %dma_start3A_385 = tpu.memref_slice %arg2[%dma_start3A_383, %dma_start3A_384] : memref<10240x24xf32, #tpu.memory_space<hbm>> -> memref<10240x24xf32, #tpu.memory_space<hbm>>
        %dma_start3A_386 = tpu.memref_slice %arg12[%dma_start3A_375] : memref<5x!tpu.dma_semaphore, #tpu.memory_space<semaphore_mem>> -> memref<1x!tpu.dma_semaphore, #tpu.memory_space<semaphore_mem>>
        %dma_start3A_387 = tpu.memref_squeeze %dma_start3A_386 : memref<1x!tpu.dma_semaphore, #tpu.memory_space<semaphore_mem>> -> memref<!tpu.dma_semaphore, #tpu.memory_space<semaphore_mem>>
        tpu.enqueue_indirect_dma source(%dma_start3A_385 : memref<10240x24xf32, #tpu.memory_space<hbm>>) target(%dma_start3A_379 : memref<80x24xf32, #tpu.memory_space<vmem>>) offsets(%dma_start3A_382 : memref<80xi32, #tpu.memory_space<vmem>>) semaphore(%dma_start3A_387 : memref<!tpu.dma_semaphore, #tpu.memory_space<semaphore_mem>>)
      } else {
      }
      %add3A_324 = arith.constant 3 : i32
      %add3A_325 = arith.addi %add3A_92, %add3A_324 : i32
      %dma_wait3A_326 = arith.constant 3 : i32
      %dma_wait3A_327 = arith.constant 3 : i32
      %dma_wait3A_328 = arith.constant 0 : i32
      %dma_wait3A_329 = arith.constant 0 : i32
      %dma_wait3A_330 = tpu.memref_slice %arg9[%dma_wait3A_326, %dma_wait3A_328, %dma_wait3A_329] : memref<5x80x24xf32, #tpu.memory_space<vmem>> -> memref<1x80x24xf32, #tpu.memory_space<vmem>>
      %dma_wait3A_331 = tpu.memref_squeeze %dma_wait3A_330 : memref<1x80x24xf32, #tpu.memory_space<vmem>> -> memref<80x24xf32, #tpu.memory_space<vmem>>
      %dma_wait3A_332 = arith.constant 0 : i32
      %dma_wait3A_333 = tpu.memref_slice %arg8[%add3A_325, %dma_wait3A_332] : memref<125x80xi32, #tpu.memory_space<vmem>> -> memref<1x80xi32, #tpu.memory_space<vmem>>
      %dma_wait3A_334 = tpu.memref_squeeze %dma_wait3A_333 : memref<1x80xi32, #tpu.memory_space<vmem>> -> memref<80xi32, #tpu.memory_space<vmem>>
      %dma_wait3A_335 = arith.constant 0 : i32
      %dma_wait3A_336 = arith.constant 0 : i32
      %dma_wait3A_337 = tpu.memref_slice %arg10[%dma_wait3A_335, %dma_wait3A_336] : memref<10240x24xf32, #tpu.memory_space<vmem_shared>> -> memref<10240x24xf32, #tpu.memory_space<vmem_shared>>
      %dma_wait3A_338 = tpu.memref_slice %arg13[%dma_wait3A_327] : memref<5x!tpu.dma_semaphore, #tpu.memory_space<semaphore_mem>> -> memref<1x!tpu.dma_semaphore, #tpu.memory_space<semaphore_mem>>
      %dma_wait3A_339 = tpu.memref_squeeze %dma_wait3A_338 : memref<1x!tpu.dma_semaphore, #tpu.memory_space<semaphore_mem>> -> memref<!tpu.dma_semaphore, #tpu.memory_space<semaphore_mem>>
      tpu.wait_indirect_dma semaphore(%dma_wait3A_339 : memref<!tpu.dma_semaphore, #tpu.memory_space<semaphore_mem>>) src(%dma_wait3A_331 : memref<80x24xf32, #tpu.memory_space<vmem>>) dst(%dma_wait3A_337 : memref<10240x24xf32, #tpu.memory_space<vmem_shared>>)
      %add3A_340 = arith.constant 5 : i32
      %add3A_341 = arith.addi %add3A_92, %add3A_340 : i32
      %add3A_342 = arith.constant 3 : i32
      %add3A_343 = arith.addi %add3A_341, %add3A_342 : i32
      %lt3A_344 = arith.constant 125 : i32
      %lt3A_345 = arith.cmpi slt, %add3A_343, %lt3A_344 : i32
      %convert_element_type3A_346 = arith.extui %lt3A_345 : i1 to i32
      %cond3A_347 = arith.constant 0 : i32
      %cond3A_348 = arith.cmpi ne, %convert_element_type3A_346, %cond3A_347 : i32
      scf.if %cond3A_348 {
        %dma_start3A_374 = arith.constant 3 : i32
        %dma_start3A_375 = arith.constant 3 : i32
        %dma_start3A_376 = arith.constant 0 : i32
        %dma_start3A_377 = arith.constant 0 : i32
        %dma_start3A_378 = tpu.memref_slice %arg9[%dma_start3A_374, %dma_start3A_376, %dma_start3A_377] : memref<5x80x24xf32, #tpu.memory_space<vmem>> -> memref<1x80x24xf32, #tpu.memory_space<vmem>>
        %dma_start3A_379 = tpu.memref_squeeze %dma_start3A_378 : memref<1x80x24xf32, #tpu.memory_space<vmem>> -> memref<80x24xf32, #tpu.memory_space<vmem>>
        %dma_start3A_380 = arith.constant 0 : i32
        %dma_start3A_381 = tpu.memref_slice %arg7[%add3A_343, %dma_start3A_380] : memref<125x80xi32, #tpu.memory_space<vmem>> -> memref<1x80xi32, #tpu.memory_space<vmem>>
        %dma_start3A_382 = tpu.memref_squeeze %dma_start3A_381 : memref<1x80xi32, #tpu.memory_space<vmem>> -> memref<80xi32, #tpu.memory_space<vmem>>
        %dma_start3A_383 = arith.constant 0 : i32
        %dma_start3A_384 = arith.constant 0 : i32
        %dma_start3A_385 = tpu.memref_slice %arg2[%dma_start3A_383, %dma_start3A_384] : memref<10240x24xf32, #tpu.memory_space<hbm>> -> memref<10240x24xf32, #tpu.memory_space<hbm>>
        %dma_start3A_386 = tpu.memref_slice %arg12[%dma_start3A_375] : memref<5x!tpu.dma_semaphore, #tpu.memory_space<semaphore_mem>> -> memref<1x!tpu.dma_semaphore, #tpu.memory_space<semaphore_mem>>
        %dma_start3A_387 = tpu.memref_squeeze %dma_start3A_386 : memref<1x!tpu.dma_semaphore, #tpu.memory_space<semaphore_mem>> -> memref<!tpu.dma_semaphore, #tpu.memory_space<semaphore_mem>>
        tpu.enqueue_indirect_dma source(%dma_start3A_385 : memref<10240x24xf32, #tpu.memory_space<hbm>>) target(%dma_start3A_379 : memref<80x24xf32, #tpu.memory_space<vmem>>) offsets(%dma_start3A_382 : memref<80xi32, #tpu.memory_space<vmem>>) semaphore(%dma_start3A_387 : memref<!tpu.dma_semaphore, #tpu.memory_space<semaphore_mem>>)
      } else {
      }
      %add3A_349 = arith.constant 4 : i32
      %add3A_350 = arith.addi %add3A_92, %add3A_349 : i32
      %dma_wait3A_351 = arith.constant 4 : i32
      %dma_wait3A_352 = arith.constant 4 : i32
      %dma_wait3A_353 = arith.constant 0 : i32
      %dma_wait3A_354 = arith.constant 0 : i32
      %dma_wait3A_355 = tpu.memref_slice %arg9[%dma_wait3A_351, %dma_wait3A_353, %dma_wait3A_354] : memref<5x80x24xf32, #tpu.memory_space<vmem>> -> memref<1x80x24xf32, #tpu.memory_space<vmem>>
      %dma_wait3A_356 = tpu.memref_squeeze %dma_wait3A_355 : memref<1x80x24xf32, #tpu.memory_space<vmem>> -> memref<80x24xf32, #tpu.memory_space<vmem>>
      %dma_wait3A_357 = arith.constant 0 : i32
      %dma_wait3A_358 = tpu.memref_slice %arg8[%add3A_350, %dma_wait3A_357] : memref<125x80xi32, #tpu.memory_space<vmem>> -> memref<1x80xi32, #tpu.memory_space<vmem>>
      %dma_wait3A_359 = tpu.memref_squeeze %dma_wait3A_358 : memref<1x80xi32, #tpu.memory_space<vmem>> -> memref<80xi32, #tpu.memory_space<vmem>>
      %dma_wait3A_360 = arith.constant 0 : i32
      %dma_wait3A_361 = arith.constant 0 : i32
      %dma_wait3A_362 = tpu.memref_slice %arg10[%dma_wait3A_360, %dma_wait3A_361] : memref<10240x24xf32, #tpu.memory_space<vmem_shared>> -> memref<10240x24xf32, #tpu.memory_space<vmem_shared>>
      %dma_wait3A_363 = tpu.memref_slice %arg13[%dma_wait3A_352] : memref<5x!tpu.dma_semaphore, #tpu.memory_space<semaphore_mem>> -> memref<1x!tpu.dma_semaphore, #tpu.memory_space<semaphore_mem>>
      %dma_wait3A_364 = tpu.memref_squeeze %dma_wait3A_363 : memref<1x!tpu.dma_semaphore, #tpu.memory_space<semaphore_mem>> -> memref<!tpu.dma_semaphore, #tpu.memory_space<semaphore_mem>>
      tpu.wait_indirect_dma semaphore(%dma_wait3A_364 : memref<!tpu.dma_semaphore, #tpu.memory_space<semaphore_mem>>) src(%dma_wait3A_356 : memref<80x24xf32, #tpu.memory_space<vmem>>) dst(%dma_wait3A_362 : memref<10240x24xf32, #tpu.memory_space<vmem_shared>>)
      %add3A_365 = arith.constant 5 : i32
      %add3A_366 = arith.addi %add3A_92, %add3A_365 : i32
      %add3A_367 = arith.constant 4 : i32
      %add3A_368 = arith.addi %add3A_366, %add3A_367 : i32
      %lt3A_369 = arith.constant 125 : i32
      %lt3A_370 = arith.cmpi slt, %add3A_368, %lt3A_369 : i32
      %convert_element_type3A_371 = arith.extui %lt3A_370 : i1 to i32
      %cond3A_372 = arith.constant 0 : i32
      %cond3A_373 = arith.cmpi ne, %convert_element_type3A_371, %cond3A_372 : i32
      scf.if %cond3A_373 {
        %dma_start3A_374 = arith.constant 4 : i32
        %dma_start3A_375 = arith.constant 4 : i32
        %dma_start3A_376 = arith.constant 0 : i32
        %dma_start3A_377 = arith.constant 0 : i32
        %dma_start3A_378 = tpu.memref_slice %arg9[%dma_start3A_374, %dma_start3A_376, %dma_start3A_377] : memref<5x80x24xf32, #tpu.memory_space<vmem>> -> memref<1x80x24xf32, #tpu.memory_space<vmem>>
        %dma_start3A_379 = tpu.memref_squeeze %dma_start3A_378 : memref<1x80x24xf32, #tpu.memory_space<vmem>> -> memref<80x24xf32, #tpu.memory_space<vmem>>
        %dma_start3A_380 = arith.constant 0 : i32
        %dma_start3A_381 = tpu.memref_slice %arg7[%add3A_368, %dma_start3A_380] : memref<125x80xi32, #tpu.memory_space<vmem>> -> memref<1x80xi32, #tpu.memory_space<vmem>>
        %dma_start3A_382 = tpu.memref_squeeze %dma_start3A_381 : memref<1x80xi32, #tpu.memory_space<vmem>> -> memref<80xi32, #tpu.memory_space<vmem>>
        %dma_start3A_383 = arith.constant 0 : i32
        %dma_start3A_384 = arith.constant 0 : i32
        %dma_start3A_385 = tpu.memref_slice %arg2[%dma_start3A_383, %dma_start3A_384] : memref<10240x24xf32, #tpu.memory_space<hbm>> -> memref<10240x24xf32, #tpu.memory_space<hbm>>
        %dma_start3A_386 = tpu.memref_slice %arg12[%dma_start3A_375] : memref<5x!tpu.dma_semaphore, #tpu.memory_space<semaphore_mem>> -> memref<1x!tpu.dma_semaphore, #tpu.memory_space<semaphore_mem>>
        %dma_start3A_387 = tpu.memref_squeeze %dma_start3A_386 : memref<1x!tpu.dma_semaphore, #tpu.memory_space<semaphore_mem>> -> memref<!tpu.dma_semaphore, #tpu.memory_space<semaphore_mem>>
        tpu.enqueue_indirect_dma source(%dma_start3A_385 : memref<10240x24xf32, #tpu.memory_space<hbm>>) target(%dma_start3A_379 : memref<80x24xf32, #tpu.memory_space<vmem>>) offsets(%dma_start3A_382 : memref<80xi32, #tpu.memory_space<vmem>>) semaphore(%dma_start3A_387 : memref<!tpu.dma_semaphore, #tpu.memory_space<semaphore_mem>>)
      } else {
      }
    }
    %scan3A_82 = arith.constant 25 : i32
    %barrier3A_83 = arith.constant 0 : index
    tpu.barrier barrier_id(%barrier3A_83)
    %mul3A_84 = arith.constant 640 : i32
    %mul3A_85 = arith.muli %arg1, %mul3A_84 : i32
    %mul3A_86 = arith.constant 640 : i32
    %mul3A_87 = arith.muli %arg1, %mul3A_86 : i32
    "tpu.region"() ({
      %run_scoped3A = tpu.sem_alloc : memref<!tpu.dma_semaphore, #tpu.memory_space<semaphore_mem>>
      %dma_start3A_88 = arith.constant 0 : i32
      %dma_start3A_89 = tpu.memref_slice %arg6[%arg0, %mul3A_87, %dma_start3A_88] : memref<2x10240x24xf32, #tpu.memory_space<hbm>> -> memref<1x640x24xf32, #tpu.memory_space<hbm>>
      %dma_start3A_90 = tpu.memref_squeeze %dma_start3A_89 : memref<1x640x24xf32, #tpu.memory_space<hbm>> -> memref<640x24xf32, #tpu.memory_space<hbm>>
      %dma_start3A_91 = arith.constant 0 : i32
      %dma_start3A_92 = tpu.memref_slice %arg10[%mul3A_85, %dma_start3A_91] : memref<10240x24xf32, #tpu.memory_space<vmem_shared>> -> memref<640x24xf32, #tpu.memory_space<vmem_shared>>
      tpu.enqueue_dma source(%dma_start3A_92 : memref<640x24xf32, #tpu.memory_space<vmem_shared>>) target(%dma_start3A_90 : memref<640x24xf32, #tpu.memory_space<hbm>>) target_semaphore(%run_scoped3A : memref<!tpu.dma_semaphore, #tpu.memory_space<semaphore_mem>>)
      %dma_wait3A = arith.constant 0 : i32
      %dma_wait3A_93 = tpu.memref_slice %arg6[%arg0, %mul3A_87, %dma_wait3A] : memref<2x10240x24xf32, #tpu.memory_space<hbm>> -> memref<1x640x24xf32, #tpu.memory_space<hbm>>
      %dma_wait3A_94 = tpu.memref_squeeze %dma_wait3A_93 : memref<1x640x24xf32, #tpu.memory_space<hbm>> -> memref<640x24xf32, #tpu.memory_space<hbm>>
      %dma_wait3A_95 = arith.constant 0 : i32
      %dma_wait3A_96 = tpu.memref_slice %arg10[%mul3A_85, %dma_wait3A_95] : memref<10240x24xf32, #tpu.memory_space<vmem_shared>> -> memref<640x24xf32, #tpu.memory_space<vmem_shared>>
      tpu.wait_dma2 semaphore(%run_scoped3A : memref<!tpu.dma_semaphore, #tpu.memory_space<semaphore_mem>>) src(%dma_wait3A_96 : memref<640x24xf32, #tpu.memory_space<vmem_shared>>) dst(%dma_wait3A_94 : memref<640x24xf32, #tpu.memory_space<hbm>>)
      tpu.yield
    }) : () -> ()
    return
  }
}

#map = affine_map<(d0, d1) -> (0, 0)>
#map1 = affine_map<(d0, d1) -> (0, 0, 0)>
module attributes {stable_mosaic.version = 14 : i64} {
  func.func @k(%arg0: i32, %arg1: i32, %arg2: memref<10240x8xf32, #tpu.memory_space<hbm>>, %arg3: memref<32x125x80xi32, #tpu.memory_space<hbm>>, %arg4: memref<32x125x80xi32, #tpu.memory_space<hbm>>, %arg5: memref<10240x8xf32, #tpu.memory_space<hbm>>, %arg6: memref<2x10240x8xf32, #tpu.memory_space<hbm>>, %arg7: memref<125x80xi32, #tpu.memory_space<vmem>>, %arg8: memref<125x80xi32, #tpu.memory_space<vmem>>, %arg9: memref<5x80x8xf32, #tpu.memory_space<vmem>>, %arg10: memref<10240x8xf32, #tpu.memory_space<vmem_shared>>, %arg11: memref<10240x8xf32, #tpu.memory_space<vmem_shared>>, %arg12: memref<5x!tpu.dma_semaphore, #tpu.memory_space<semaphore_mem>>, %arg13: memref<5x!tpu.dma_semaphore, #tpu.memory_space<semaphore_mem>>) attributes {dimension_semantics = [#tpu.dimension_semantics<core_parallel>, #tpu.dimension_semantics<subcore_parallel>], iteration_bounds = array<i64: 2, 16>, scalar_prefetch = 0 : i64, scratch_operands = 7 : i64, tpu.core_type = #tpu.core_type<sc_vector_subcore>, window_params = [{transform_indices = #map}, {transform_indices = #map1}, {transform_indices = #map1}, {transform_indices = #map}, {transform_indices = #map1}]} {
    %mul3A = arith.constant 2 : i32
    %mul3A_0 = arith.muli %arg1, %mul3A : i32
    %add3A = arith.addi %mul3A_0, %arg0 : i32
    %mul3A_1 = arith.constant 640 : i32
    %mul3A_2 = arith.muli %arg1, %mul3A_1 : i32
    %mul3A_3 = arith.constant 640 : i32
    %mul3A_4 = arith.muli %arg1, %mul3A_3 : i32
    "tpu.region"() ({
      %run_scoped3A = tpu.sem_alloc : memref<!tpu.dma_semaphore, #tpu.memory_space<semaphore_mem>>
      %dma_start3A_92 = arith.constant 0 : i32
      %dma_start3A_93 = tpu.memref_slice %arg10[%mul3A_4, %dma_start3A_92] : memref<10240x8xf32, #tpu.memory_space<vmem_shared>> -> memref<640x8xf32, #tpu.memory_space<vmem_shared>>
      %dma_start3A_94 = arith.constant 0 : i32
      %dma_start3A_95 = tpu.memref_slice %arg5[%mul3A_2, %dma_start3A_94] : memref<10240x8xf32, #tpu.memory_space<hbm>> -> memref<640x8xf32, #tpu.memory_space<hbm>>
      tpu.enqueue_dma source(%dma_start3A_95 : memref<640x8xf32, #tpu.memory_space<hbm>>) target(%dma_start3A_93 : memref<640x8xf32, #tpu.memory_space<vmem_shared>>) target_semaphore(%run_scoped3A : memref<!tpu.dma_semaphore, #tpu.memory_space<semaphore_mem>>)
      %dma_wait3A = arith.constant 0 : i32
      %dma_wait3A_96 = tpu.memref_slice %arg10[%mul3A_4, %dma_wait3A] : memref<10240x8xf32, #tpu.memory_space<vmem_shared>> -> memref<640x8xf32, #tpu.memory_space<vmem_shared>>
      %dma_wait3A_97 = arith.constant 0 : i32
      %dma_wait3A_98 = tpu.memref_slice %arg5[%mul3A_2, %dma_wait3A_97] : memref<10240x8xf32, #tpu.memory_space<hbm>> -> memref<640x8xf32, #tpu.memory_space<hbm>>
      tpu.wait_dma2 semaphore(%run_scoped3A : memref<!tpu.dma_semaphore, #tpu.memory_space<semaphore_mem>>) src(%dma_wait3A_98 : memref<640x8xf32, #tpu.memory_space<hbm>>) dst(%dma_wait3A_96 : memref<640x8xf32, #tpu.memory_space<vmem_shared>>)
      tpu.yield
    }) : () -> ()
    "tpu.region"() ({
      %run_scoped3A = tpu.sem_alloc : memref<!tpu.dma_semaphore, #tpu.memory_space<semaphore_mem>>
      %dma_start3A_92 = arith.constant 0 : i32
      %dma_start3A_93 = arith.constant 0 : i32
      %dma_start3A_94 = tpu.memref_slice %arg3[%add3A, %dma_start3A_92, %dma_start3A_93] : memref<32x125x80xi32, #tpu.memory_space<hbm>> -> memref<1x125x80xi32, #tpu.memory_space<hbm>>
      %dma_start3A_95 = tpu.memref_squeeze %dma_start3A_94 : memref<1x125x80xi32, #tpu.memory_space<hbm>> -> memref<125x80xi32, #tpu.memory_space<hbm>>
      %dma_start3A_96 = arith.constant 0 : i32
      %dma_start3A_97 = arith.constant 0 : i32
      %dma_start3A_98 = tpu.memref_slice %arg3[%add3A, %dma_start3A_96, %dma_start3A_97] : memref<32x125x80xi32, #tpu.memory_space<hbm>> -> memref<1x125x80xi32, #tpu.memory_space<hbm>>
      %dma_start3A_99 = tpu.memref_squeeze %dma_start3A_98 : memref<1x125x80xi32, #tpu.memory_space<hbm>> -> memref<125x80xi32, #tpu.memory_space<hbm>>
      tpu.enqueue_dma source(%dma_start3A_99 : memref<125x80xi32, #tpu.memory_space<hbm>>) target(%arg7 : memref<125x80xi32, #tpu.memory_space<vmem>>) target_semaphore(%run_scoped3A : memref<!tpu.dma_semaphore, #tpu.memory_space<semaphore_mem>>)
      %dma_wait3A = arith.constant 0 : i32
      %dma_wait3A_100 = arith.constant 0 : i32
      %dma_wait3A_101 = tpu.memref_slice %arg3[%add3A, %dma_wait3A, %dma_wait3A_100] : memref<32x125x80xi32, #tpu.memory_space<hbm>> -> memref<1x125x80xi32, #tpu.memory_space<hbm>>
      %dma_wait3A_102 = tpu.memref_squeeze %dma_wait3A_101 : memref<1x125x80xi32, #tpu.memory_space<hbm>> -> memref<125x80xi32, #tpu.memory_space<hbm>>
      %dma_wait3A_103 = arith.constant 0 : i32
      %dma_wait3A_104 = arith.constant 0 : i32
      %dma_wait3A_105 = tpu.memref_slice %arg3[%add3A, %dma_wait3A_103, %dma_wait3A_104] : memref<32x125x80xi32, #tpu.memory_space<hbm>> -> memref<1x125x80xi32, #tpu.memory_space<hbm>>
      %dma_wait3A_106 = tpu.memref_squeeze %dma_wait3A_105 : memref<1x125x80xi32, #tpu.memory_space<hbm>> -> memref<125x80xi32, #tpu.memory_space<hbm>>
      tpu.wait_dma2 semaphore(%run_scoped3A : memref<!tpu.dma_semaphore, #tpu.memory_space<semaphore_mem>>) src(%dma_wait3A_106 : memref<125x80xi32, #tpu.memory_space<hbm>>) dst(%arg7 : memref<125x80xi32, #tpu.memory_space<vmem>>)
      tpu.yield
    }) : () -> ()
    "tpu.region"() ({
      %run_scoped3A = tpu.sem_alloc : memref<!tpu.dma_semaphore, #tpu.memory_space<semaphore_mem>>
      %dma_start3A_92 = arith.constant 0 : i32
      %dma_start3A_93 = arith.constant 0 : i32
      %dma_start3A_94 = tpu.memref_slice %arg4[%add3A, %dma_start3A_92, %dma_start3A_93] : memref<32x125x80xi32, #tpu.memory_space<hbm>> -> memref<1x125x80xi32, #tpu.memory_space<hbm>>
      %dma_start3A_95 = tpu.memref_squeeze %dma_start3A_94 : memref<1x125x80xi32, #tpu.memory_space<hbm>> -> memref<125x80xi32, #tpu.memory_space<hbm>>
      %dma_start3A_96 = arith.constant 0 : i32
      %dma_start3A_97 = arith.constant 0 : i32
      %dma_start3A_98 = tpu.memref_slice %arg4[%add3A, %dma_start3A_96, %dma_start3A_97] : memref<32x125x80xi32, #tpu.memory_space<hbm>> -> memref<1x125x80xi32, #tpu.memory_space<hbm>>
      %dma_start3A_99 = tpu.memref_squeeze %dma_start3A_98 : memref<1x125x80xi32, #tpu.memory_space<hbm>> -> memref<125x80xi32, #tpu.memory_space<hbm>>
      tpu.enqueue_dma source(%dma_start3A_99 : memref<125x80xi32, #tpu.memory_space<hbm>>) target(%arg8 : memref<125x80xi32, #tpu.memory_space<vmem>>) target_semaphore(%run_scoped3A : memref<!tpu.dma_semaphore, #tpu.memory_space<semaphore_mem>>)
      %dma_wait3A = arith.constant 0 : i32
      %dma_wait3A_100 = arith.constant 0 : i32
      %dma_wait3A_101 = tpu.memref_slice %arg4[%add3A, %dma_wait3A, %dma_wait3A_100] : memref<32x125x80xi32, #tpu.memory_space<hbm>> -> memref<1x125x80xi32, #tpu.memory_space<hbm>>
      %dma_wait3A_102 = tpu.memref_squeeze %dma_wait3A_101 : memref<1x125x80xi32, #tpu.memory_space<hbm>> -> memref<125x80xi32, #tpu.memory_space<hbm>>
      %dma_wait3A_103 = arith.constant 0 : i32
      %dma_wait3A_104 = arith.constant 0 : i32
      %dma_wait3A_105 = tpu.memref_slice %arg4[%add3A, %dma_wait3A_103, %dma_wait3A_104] : memref<32x125x80xi32, #tpu.memory_space<hbm>> -> memref<1x125x80xi32, #tpu.memory_space<hbm>>
      %dma_wait3A_106 = tpu.memref_squeeze %dma_wait3A_105 : memref<1x125x80xi32, #tpu.memory_space<hbm>> -> memref<125x80xi32, #tpu.memory_space<hbm>>
      tpu.wait_dma2 semaphore(%run_scoped3A : memref<!tpu.dma_semaphore, #tpu.memory_space<semaphore_mem>>) src(%dma_wait3A_106 : memref<125x80xi32, #tpu.memory_space<hbm>>) dst(%arg8 : memref<125x80xi32, #tpu.memory_space<vmem>>)
      tpu.yield
    }) : () -> ()
    %mul3A_5 = arith.constant 640 : i32
    %mul3A_6 = arith.muli %arg1, %mul3A_5 : i32
    %mul3A_7 = arith.constant 640 : i32
    %mul3A_8 = arith.muli %arg1, %mul3A_7 : i32
    "tpu.region"() ({
      %run_scoped3A = tpu.sem_alloc : memref<!tpu.dma_semaphore, #tpu.memory_space<semaphore_mem>>
      %dma_start3A_92 = arith.constant 0 : i32
      %dma_start3A_93 = tpu.memref_slice %arg11[%mul3A_8, %dma_start3A_92] : memref<10240x8xf32, #tpu.memory_space<vmem_shared>> -> memref<640x8xf32, #tpu.memory_space<vmem_shared>>
      %dma_start3A_94 = arith.constant 0 : i32
      %dma_start3A_95 = tpu.memref_slice %arg2[%mul3A_6, %dma_start3A_94] : memref<10240x8xf32, #tpu.memory_space<hbm>> -> memref<640x8xf32, #tpu.memory_space<hbm>>
      tpu.enqueue_dma source(%dma_start3A_95 : memref<640x8xf32, #tpu.memory_space<hbm>>) target(%dma_start3A_93 : memref<640x8xf32, #tpu.memory_space<vmem_shared>>) target_semaphore(%run_scoped3A : memref<!tpu.dma_semaphore, #tpu.memory_space<semaphore_mem>>)
      %dma_wait3A = arith.constant 0 : i32
      %dma_wait3A_96 = tpu.memref_slice %arg11[%mul3A_8, %dma_wait3A] : memref<10240x8xf32, #tpu.memory_space<vmem_shared>> -> memref<640x8xf32, #tpu.memory_space<vmem_shared>>
      %dma_wait3A_97 = arith.constant 0 : i32
      %dma_wait3A_98 = tpu.memref_slice %arg2[%mul3A_6, %dma_wait3A_97] : memref<10240x8xf32, #tpu.memory_space<hbm>> -> memref<640x8xf32, #tpu.memory_space<hbm>>
      tpu.wait_dma2 semaphore(%run_scoped3A : memref<!tpu.dma_semaphore, #tpu.memory_space<semaphore_mem>>) src(%dma_wait3A_98 : memref<640x8xf32, #tpu.memory_space<hbm>>) dst(%dma_wait3A_96 : memref<640x8xf32, #tpu.memory_space<vmem_shared>>)
      tpu.yield
    }) : () -> ()
    %barrier3A = arith.constant 0 : index
    tpu.barrier barrier_id(%barrier3A)
    %dma_start3A = arith.constant 0 : i32
    %dma_start3A_9 = arith.constant 0 : i32
    %dma_start3A_10 = arith.constant 0 : i32
    %dma_start3A_11 = arith.constant 0 : i32
    %dma_start3A_12 = arith.constant 0 : i32
    %dma_start3A_13 = tpu.memref_slice %arg9[%dma_start3A_9, %dma_start3A_11, %dma_start3A_12] : memref<5x80x8xf32, #tpu.memory_space<vmem>> -> memref<1x80x8xf32, #tpu.memory_space<vmem>>
    %dma_start3A_14 = tpu.memref_squeeze %dma_start3A_13 : memref<1x80x8xf32, #tpu.memory_space<vmem>> -> memref<80x8xf32, #tpu.memory_space<vmem>>
    %dma_start3A_15 = arith.constant 0 : i32
    %dma_start3A_16 = tpu.memref_slice %arg7[%dma_start3A, %dma_start3A_15] : memref<125x80xi32, #tpu.memory_space<vmem>> -> memref<1x80xi32, #tpu.memory_space<vmem>>
    %dma_start3A_17 = tpu.memref_squeeze %dma_start3A_16 : memref<1x80xi32, #tpu.memory_space<vmem>> -> memref<80xi32, #tpu.memory_space<vmem>>
    %dma_start3A_18 = arith.constant 0 : i32
    %dma_start3A_19 = arith.constant 0 : i32
    %dma_start3A_20 = tpu.memref_slice %arg11[%dma_start3A_18, %dma_start3A_19] : memref<10240x8xf32, #tpu.memory_space<vmem_shared>> -> memref<10240x8xf32, #tpu.memory_space<vmem_shared>>
    %dma_start3A_21 = tpu.memref_slice %arg12[%dma_start3A_10] : memref<5x!tpu.dma_semaphore, #tpu.memory_space<semaphore_mem>> -> memref<1x!tpu.dma_semaphore, #tpu.memory_space<semaphore_mem>>
    %dma_start3A_22 = tpu.memref_squeeze %dma_start3A_21 : memref<1x!tpu.dma_semaphore, #tpu.memory_space<semaphore_mem>> -> memref<!tpu.dma_semaphore, #tpu.memory_space<semaphore_mem>>
    tpu.enqueue_indirect_dma source(%dma_start3A_20 : memref<10240x8xf32, #tpu.memory_space<vmem_shared>>) target(%dma_start3A_14 : memref<80x8xf32, #tpu.memory_space<vmem>>) offsets(%dma_start3A_17 : memref<80xi32, #tpu.memory_space<vmem>>) semaphore(%dma_start3A_22 : memref<!tpu.dma_semaphore, #tpu.memory_space<semaphore_mem>>)
    %dma_start3A_23 = arith.constant 1 : i32
    %dma_start3A_24 = arith.constant 1 : i32
    %dma_start3A_25 = arith.constant 1 : i32
    %dma_start3A_26 = arith.constant 0 : i32
    %dma_start3A_27 = arith.constant 0 : i32
    %dma_start3A_28 = tpu.memref_slice %arg9[%dma_start3A_24, %dma_start3A_26, %dma_start3A_27] : memref<5x80x8xf32, #tpu.memory_space<vmem>> -> memref<1x80x8xf32, #tpu.memory_space<vmem>>
    %dma_start3A_29 = tpu.memref_squeeze %dma_start3A_28 : memref<1x80x8xf32, #tpu.memory_space<vmem>> -> memref<80x8xf32, #tpu.memory_space<vmem>>
    %dma_start3A_30 = arith.constant 0 : i32
    %dma_start3A_31 = tpu.memref_slice %arg7[%dma_start3A_23, %dma_start3A_30] : memref<125x80xi32, #tpu.memory_space<vmem>> -> memref<1x80xi32, #tpu.memory_space<vmem>>
    %dma_start3A_32 = tpu.memref_squeeze %dma_start3A_31 : memref<1x80xi32, #tpu.memory_space<vmem>> -> memref<80xi32, #tpu.memory_space<vmem>>
    %dma_start3A_33 = arith.constant 0 : i32
    %dma_start3A_34 = arith.constant 0 : i32
    %dma_start3A_35 = tpu.memref_slice %arg11[%dma_start3A_33, %dma_start3A_34] : memref<10240x8xf32, #tpu.memory_space<vmem_shared>> -> memref<10240x8xf32, #tpu.memory_space<vmem_shared>>
    %dma_start3A_36 = tpu.memref_slice %arg12[%dma_start3A_25] : memref<5x!tpu.dma_semaphore, #tpu.memory_space<semaphore_mem>> -> memref<1x!tpu.dma_semaphore, #tpu.memory_space<semaphore_mem>>
    %dma_start3A_37 = tpu.memref_squeeze %dma_start3A_36 : memref<1x!tpu.dma_semaphore, #tpu.memory_space<semaphore_mem>> -> memref<!tpu.dma_semaphore, #tpu.memory_space<semaphore_mem>>
    tpu.enqueue_indirect_dma source(%dma_start3A_35 : memref<10240x8xf32, #tpu.memory_space<vmem_shared>>) target(%dma_start3A_29 : memref<80x8xf32, #tpu.memory_space<vmem>>) offsets(%dma_start3A_32 : memref<80xi32, #tpu.memory_space<vmem>>) semaphore(%dma_start3A_37 : memref<!tpu.dma_semaphore, #tpu.memory_space<semaphore_mem>>)
    %dma_start3A_38 = arith.constant 2 : i32
    %dma_start3A_39 = arith.constant 2 : i32
    %dma_start3A_40 = arith.constant 2 : i32
    %dma_start3A_41 = arith.constant 0 : i32
    %dma_start3A_42 = arith.constant 0 : i32
    %dma_start3A_43 = tpu.memref_slice %arg9[%dma_start3A_39, %dma_start3A_41, %dma_start3A_42] : memref<5x80x8xf32, #tpu.memory_space<vmem>> -> memref<1x80x8xf32, #tpu.memory_space<vmem>>
    %dma_start3A_44 = tpu.memref_squeeze %dma_start3A_43 : memref<1x80x8xf32, #tpu.memory_space<vmem>> -> memref<80x8xf32, #tpu.memory_space<vmem>>
    %dma_start3A_45 = arith.constant 0 : i32
    %dma_start3A_46 = tpu.memref_slice %arg7[%dma_start3A_38, %dma_start3A_45] : memref<125x80xi32, #tpu.memory_space<vmem>> -> memref<1x80xi32, #tpu.memory_space<vmem>>
    %dma_start3A_47 = tpu.memref_squeeze %dma_start3A_46 : memref<1x80xi32, #tpu.memory_space<vmem>> -> memref<80xi32, #tpu.memory_space<vmem>>
    %dma_start3A_48 = arith.constant 0 : i32
    %dma_start3A_49 = arith.constant 0 : i32
    %dma_start3A_50 = tpu.memref_slice %arg11[%dma_start3A_48, %dma_start3A_49] : memref<10240x8xf32, #tpu.memory_space<vmem_shared>> -> memref<10240x8xf32, #tpu.memory_space<vmem_shared>>
    %dma_start3A_51 = tpu.memref_slice %arg12[%dma_start3A_40] : memref<5x!tpu.dma_semaphore, #tpu.memory_space<semaphore_mem>> -> memref<1x!tpu.dma_semaphore, #tpu.memory_space<semaphore_mem>>
    %dma_start3A_52 = tpu.memref_squeeze %dma_start3A_51 : memref<1x!tpu.dma_semaphore, #tpu.memory_space<semaphore_mem>> -> memref<!tpu.dma_semaphore, #tpu.memory_space<semaphore_mem>>
    tpu.enqueue_indirect_dma source(%dma_start3A_50 : memref<10240x8xf32, #tpu.memory_space<vmem_shared>>) target(%dma_start3A_44 : memref<80x8xf32, #tpu.memory_space<vmem>>) offsets(%dma_start3A_47 : memref<80xi32, #tpu.memory_space<vmem>>) semaphore(%dma_start3A_52 : memref<!tpu.dma_semaphore, #tpu.memory_space<semaphore_mem>>)
    %dma_start3A_53 = arith.constant 3 : i32
    %dma_start3A_54 = arith.constant 3 : i32
    %dma_start3A_55 = arith.constant 3 : i32
    %dma_start3A_56 = arith.constant 0 : i32
    %dma_start3A_57 = arith.constant 0 : i32
    %dma_start3A_58 = tpu.memref_slice %arg9[%dma_start3A_54, %dma_start3A_56, %dma_start3A_57] : memref<5x80x8xf32, #tpu.memory_space<vmem>> -> memref<1x80x8xf32, #tpu.memory_space<vmem>>
    %dma_start3A_59 = tpu.memref_squeeze %dma_start3A_58 : memref<1x80x8xf32, #tpu.memory_space<vmem>> -> memref<80x8xf32, #tpu.memory_space<vmem>>
    %dma_start3A_60 = arith.constant 0 : i32
    %dma_start3A_61 = tpu.memref_slice %arg7[%dma_start3A_53, %dma_start3A_60] : memref<125x80xi32, #tpu.memory_space<vmem>> -> memref<1x80xi32, #tpu.memory_space<vmem>>
    %dma_start3A_62 = tpu.memref_squeeze %dma_start3A_61 : memref<1x80xi32, #tpu.memory_space<vmem>> -> memref<80xi32, #tpu.memory_space<vmem>>
    %dma_start3A_63 = arith.constant 0 : i32
    %dma_start3A_64 = arith.constant 0 : i32
    %dma_start3A_65 = tpu.memref_slice %arg11[%dma_start3A_63, %dma_start3A_64] : memref<10240x8xf32, #tpu.memory_space<vmem_shared>> -> memref<10240x8xf32, #tpu.memory_space<vmem_shared>>
    %dma_start3A_66 = tpu.memref_slice %arg12[%dma_start3A_55] : memref<5x!tpu.dma_semaphore, #tpu.memory_space<semaphore_mem>> -> memref<1x!tpu.dma_semaphore, #tpu.memory_space<semaphore_mem>>
    %dma_start3A_67 = tpu.memref_squeeze %dma_start3A_66 : memref<1x!tpu.dma_semaphore, #tpu.memory_space<semaphore_mem>> -> memref<!tpu.dma_semaphore, #tpu.memory_space<semaphore_mem>>
    tpu.enqueue_indirect_dma source(%dma_start3A_65 : memref<10240x8xf32, #tpu.memory_space<vmem_shared>>) target(%dma_start3A_59 : memref<80x8xf32, #tpu.memory_space<vmem>>) offsets(%dma_start3A_62 : memref<80xi32, #tpu.memory_space<vmem>>) semaphore(%dma_start3A_67 : memref<!tpu.dma_semaphore, #tpu.memory_space<semaphore_mem>>)
    %dma_start3A_68 = arith.constant 4 : i32
    %dma_start3A_69 = arith.constant 4 : i32
    %dma_start3A_70 = arith.constant 4 : i32
    %dma_start3A_71 = arith.constant 0 : i32
    %dma_start3A_72 = arith.constant 0 : i32
    %dma_start3A_73 = tpu.memref_slice %arg9[%dma_start3A_69, %dma_start3A_71, %dma_start3A_72] : memref<5x80x8xf32, #tpu.memory_space<vmem>> -> memref<1x80x8xf32, #tpu.memory_space<vmem>>
    %dma_start3A_74 = tpu.memref_squeeze %dma_start3A_73 : memref<1x80x8xf32, #tpu.memory_space<vmem>> -> memref<80x8xf32, #tpu.memory_space<vmem>>
    %dma_start3A_75 = arith.constant 0 : i32
    %dma_start3A_76 = tpu.memref_slice %arg7[%dma_start3A_68, %dma_start3A_75] : memref<125x80xi32, #tpu.memory_space<vmem>> -> memref<1x80xi32, #tpu.memory_space<vmem>>
    %dma_start3A_77 = tpu.memref_squeeze %dma_start3A_76 : memref<1x80xi32, #tpu.memory_space<vmem>> -> memref<80xi32, #tpu.memory_space<vmem>>
    %dma_start3A_78 = arith.constant 0 : i32
    %dma_start3A_79 = arith.constant 0 : i32
    %dma_start3A_80 = tpu.memref_slice %arg11[%dma_start3A_78, %dma_start3A_79] : memref<10240x8xf32, #tpu.memory_space<vmem_shared>> -> memref<10240x8xf32, #tpu.memory_space<vmem_shared>>
    %dma_start3A_81 = tpu.memref_slice %arg12[%dma_start3A_70] : memref<5x!tpu.dma_semaphore, #tpu.memory_space<semaphore_mem>> -> memref<1x!tpu.dma_semaphore, #tpu.memory_space<semaphore_mem>>
    %dma_start3A_82 = tpu.memref_squeeze %dma_start3A_81 : memref<1x!tpu.dma_semaphore, #tpu.memory_space<semaphore_mem>> -> memref<!tpu.dma_semaphore, #tpu.memory_space<semaphore_mem>>
    tpu.enqueue_indirect_dma source(%dma_start3A_80 : memref<10240x8xf32, #tpu.memory_space<vmem_shared>>) target(%dma_start3A_74 : memref<80x8xf32, #tpu.memory_space<vmem>>) offsets(%dma_start3A_77 : memref<80xi32, #tpu.memory_space<vmem>>) semaphore(%dma_start3A_82 : memref<!tpu.dma_semaphore, #tpu.memory_space<semaphore_mem>>)
    %scan3A = arith.constant 0 : i32
    %scan3A_83 = arith.constant 25 : i32
    %scan3A_84 = arith.addi %scan3A, %scan3A_83 : i32
    %scan3A_85 = arith.constant 1 : i32
    scf.for %scan3A_92 = %scan3A to %scan3A_84 step %scan3A_85  : i32 {
      %mul3A_93 = arith.constant 5 : i32
      %mul3A_94 = arith.muli %scan3A_92, %mul3A_93 : i32
      %add3A_95 = arith.constant 0 : i32
      %add3A_96 = arith.addi %add3A_95, %mul3A_94 : i32
      %add3A_97 = arith.constant 0 : i32
      %add3A_98 = arith.addi %add3A_96, %add3A_97 : i32
      %dma_wait3A = arith.constant 0 : i32
      %dma_wait3A_99 = arith.constant 0 : i32
      %dma_wait3A_100 = arith.constant 0 : i32
      %dma_wait3A_101 = arith.constant 0 : i32
      %dma_wait3A_102 = tpu.memref_slice %arg9[%dma_wait3A, %dma_wait3A_100, %dma_wait3A_101] : memref<5x80x8xf32, #tpu.memory_space<vmem>> -> memref<1x80x8xf32, #tpu.memory_space<vmem>>
      %dma_wait3A_103 = tpu.memref_squeeze %dma_wait3A_102 : memref<1x80x8xf32, #tpu.memory_space<vmem>> -> memref<80x8xf32, #tpu.memory_space<vmem>>
      %dma_wait3A_104 = arith.constant 0 : i32
      %dma_wait3A_105 = tpu.memref_slice %arg7[%add3A_98, %dma_wait3A_104] : memref<125x80xi32, #tpu.memory_space<vmem>> -> memref<1x80xi32, #tpu.memory_space<vmem>>
      %dma_wait3A_106 = tpu.memref_squeeze %dma_wait3A_105 : memref<1x80xi32, #tpu.memory_space<vmem>> -> memref<80xi32, #tpu.memory_space<vmem>>
      %dma_wait3A_107 = arith.constant 0 : i32
      %dma_wait3A_108 = arith.constant 0 : i32
      %dma_wait3A_109 = tpu.memref_slice %arg11[%dma_wait3A_107, %dma_wait3A_108] : memref<10240x8xf32, #tpu.memory_space<vmem_shared>> -> memref<10240x8xf32, #tpu.memory_space<vmem_shared>>
      %dma_wait3A_110 = tpu.memref_slice %arg12[%dma_wait3A_99] : memref<5x!tpu.dma_semaphore, #tpu.memory_space<semaphore_mem>> -> memref<1x!tpu.dma_semaphore, #tpu.memory_space<semaphore_mem>>
      %dma_wait3A_111 = tpu.memref_squeeze %dma_wait3A_110 : memref<1x!tpu.dma_semaphore, #tpu.memory_space<semaphore_mem>> -> memref<!tpu.dma_semaphore, #tpu.memory_space<semaphore_mem>>
      tpu.wait_indirect_dma semaphore(%dma_wait3A_111 : memref<!tpu.dma_semaphore, #tpu.memory_space<semaphore_mem>>) src(%dma_wait3A_109 : memref<10240x8xf32, #tpu.memory_space<vmem_shared>>) dst(%dma_wait3A_103 : memref<80x8xf32, #tpu.memory_space<vmem>>)
      %add3A_112 = arith.constant 0 : i32
      %add3A_113 = arith.addi %add3A_96, %add3A_112 : i32
      %dma_start3A_114 = arith.constant 0 : i32
      %dma_start3A_115 = arith.constant 0 : i32
      %dma_start3A_116 = arith.constant 0 : i32
      %dma_start3A_117 = arith.constant 0 : i32
      %dma_start3A_118 = tpu.memref_slice %arg9[%dma_start3A_114, %dma_start3A_116, %dma_start3A_117] : memref<5x80x8xf32, #tpu.memory_space<vmem>> -> memref<1x80x8xf32, #tpu.memory_space<vmem>>
      %dma_start3A_119 = tpu.memref_squeeze %dma_start3A_118 : memref<1x80x8xf32, #tpu.memory_space<vmem>> -> memref<80x8xf32, #tpu.memory_space<vmem>>
      %dma_start3A_120 = arith.constant 0 : i32
      %dma_start3A_121 = tpu.memref_slice %arg8[%add3A_113, %dma_start3A_120] : memref<125x80xi32, #tpu.memory_space<vmem>> -> memref<1x80xi32, #tpu.memory_space<vmem>>
      %dma_start3A_122 = tpu.memref_squeeze %dma_start3A_121 : memref<1x80xi32, #tpu.memory_space<vmem>> -> memref<80xi32, #tpu.memory_space<vmem>>
      %dma_start3A_123 = arith.constant 0 : i32
      %dma_start3A_124 = arith.constant 0 : i32
      %dma_start3A_125 = tpu.memref_slice %arg10[%dma_start3A_123, %dma_start3A_124] : memref<10240x8xf32, #tpu.memory_space<vmem_shared>> -> memref<10240x8xf32, #tpu.memory_space<vmem_shared>>
      %dma_start3A_126 = tpu.memref_slice %arg13[%dma_start3A_115] : memref<5x!tpu.dma_semaphore, #tpu.memory_space<semaphore_mem>> -> memref<1x!tpu.dma_semaphore, #tpu.memory_space<semaphore_mem>>
      %dma_start3A_127 = tpu.memref_squeeze %dma_start3A_126 : memref<1x!tpu.dma_semaphore, #tpu.memory_space<semaphore_mem>> -> memref<!tpu.dma_semaphore, #tpu.memory_space<semaphore_mem>>
      tpu.enqueue_indirect_dma source(%dma_start3A_119 : memref<80x8xf32, #tpu.memory_space<vmem>>) target(%dma_start3A_125 : memref<10240x8xf32, #tpu.memory_space<vmem_shared>>) offsets(%dma_start3A_122 : memref<80xi32, #tpu.memory_space<vmem>>) semaphore(%dma_start3A_127 : memref<!tpu.dma_semaphore, #tpu.memory_space<semaphore_mem>>) {add = true}
      %add3A_128 = arith.constant 1 : i32
      %add3A_129 = arith.addi %add3A_96, %add3A_128 : i32
      %dma_wait3A_130 = arith.constant 1 : i32
      %dma_wait3A_131 = arith.constant 1 : i32
      %dma_wait3A_132 = arith.constant 0 : i32
      %dma_wait3A_133 = arith.constant 0 : i32
      %dma_wait3A_134 = tpu.memref_slice %arg9[%dma_wait3A_130, %dma_wait3A_132, %dma_wait3A_133] : memref<5x80x8xf32, #tpu.memory_space<vmem>> -> memref<1x80x8xf32, #tpu.memory_space<vmem>>
      %dma_wait3A_135 = tpu.memref_squeeze %dma_wait3A_134 : memref<1x80x8xf32, #tpu.memory_space<vmem>> -> memref<80x8xf32, #tpu.memory_space<vmem>>
      %dma_wait3A_136 = arith.constant 0 : i32
      %dma_wait3A_137 = tpu.memref_slice %arg7[%add3A_129, %dma_wait3A_136] : memref<125x80xi32, #tpu.memory_space<vmem>> -> memref<1x80xi32, #tpu.memory_space<vmem>>
      %dma_wait3A_138 = tpu.memref_squeeze %dma_wait3A_137 : memref<1x80xi32, #tpu.memory_space<vmem>> -> memref<80xi32, #tpu.memory_space<vmem>>
      %dma_wait3A_139 = arith.constant 0 : i32
      %dma_wait3A_140 = arith.constant 0 : i32
      %dma_wait3A_141 = tpu.memref_slice %arg11[%dma_wait3A_139, %dma_wait3A_140] : memref<10240x8xf32, #tpu.memory_space<vmem_shared>> -> memref<10240x8xf32, #tpu.memory_space<vmem_shared>>
      %dma_wait3A_142 = tpu.memref_slice %arg12[%dma_wait3A_131] : memref<5x!tpu.dma_semaphore, #tpu.memory_space<semaphore_mem>> -> memref<1x!tpu.dma_semaphore, #tpu.memory_space<semaphore_mem>>
      %dma_wait3A_143 = tpu.memref_squeeze %dma_wait3A_142 : memref<1x!tpu.dma_semaphore, #tpu.memory_space<semaphore_mem>> -> memref<!tpu.dma_semaphore, #tpu.memory_space<semaphore_mem>>
      tpu.wait_indirect_dma semaphore(%dma_wait3A_143 : memref<!tpu.dma_semaphore, #tpu.memory_space<semaphore_mem>>) src(%dma_wait3A_141 : memref<10240x8xf32, #tpu.memory_space<vmem_shared>>) dst(%dma_wait3A_135 : memref<80x8xf32, #tpu.memory_space<vmem>>)
      %add3A_144 = arith.constant 1 : i32
      %add3A_145 = arith.addi %add3A_96, %add3A_144 : i32
      %dma_start3A_146 = arith.constant 1 : i32
      %dma_start3A_147 = arith.constant 1 : i32
      %dma_start3A_148 = arith.constant 0 : i32
      %dma_start3A_149 = arith.constant 0 : i32
      %dma_start3A_150 = tpu.memref_slice %arg9[%dma_start3A_146, %dma_start3A_148, %dma_start3A_149] : memref<5x80x8xf32, #tpu.memory_space<vmem>> -> memref<1x80x8xf32, #tpu.memory_space<vmem>>
      %dma_start3A_151 = tpu.memref_squeeze %dma_start3A_150 : memref<1x80x8xf32, #tpu.memory_space<vmem>> -> memref<80x8xf32, #tpu.memory_space<vmem>>
      %dma_start3A_152 = arith.constant 0 : i32
      %dma_start3A_153 = tpu.memref_slice %arg8[%add3A_145, %dma_start3A_152] : memref<125x80xi32, #tpu.memory_space<vmem>> -> memref<1x80xi32, #tpu.memory_space<vmem>>
      %dma_start3A_154 = tpu.memref_squeeze %dma_start3A_153 : memref<1x80xi32, #tpu.memory_space<vmem>> -> memref<80xi32, #tpu.memory_space<vmem>>
      %dma_start3A_155 = arith.constant 0 : i32
      %dma_start3A_156 = arith.constant 0 : i32
      %dma_start3A_157 = tpu.memref_slice %arg10[%dma_start3A_155, %dma_start3A_156] : memref<10240x8xf32, #tpu.memory_space<vmem_shared>> -> memref<10240x8xf32, #tpu.memory_space<vmem_shared>>
      %dma_start3A_158 = tpu.memref_slice %arg13[%dma_start3A_147] : memref<5x!tpu.dma_semaphore, #tpu.memory_space<semaphore_mem>> -> memref<1x!tpu.dma_semaphore, #tpu.memory_space<semaphore_mem>>
      %dma_start3A_159 = tpu.memref_squeeze %dma_start3A_158 : memref<1x!tpu.dma_semaphore, #tpu.memory_space<semaphore_mem>> -> memref<!tpu.dma_semaphore, #tpu.memory_space<semaphore_mem>>
      tpu.enqueue_indirect_dma source(%dma_start3A_151 : memref<80x8xf32, #tpu.memory_space<vmem>>) target(%dma_start3A_157 : memref<10240x8xf32, #tpu.memory_space<vmem_shared>>) offsets(%dma_start3A_154 : memref<80xi32, #tpu.memory_space<vmem>>) semaphore(%dma_start3A_159 : memref<!tpu.dma_semaphore, #tpu.memory_space<semaphore_mem>>) {add = true}
      %add3A_160 = arith.constant 2 : i32
      %add3A_161 = arith.addi %add3A_96, %add3A_160 : i32
      %dma_wait3A_162 = arith.constant 2 : i32
      %dma_wait3A_163 = arith.constant 2 : i32
      %dma_wait3A_164 = arith.constant 0 : i32
      %dma_wait3A_165 = arith.constant 0 : i32
      %dma_wait3A_166 = tpu.memref_slice %arg9[%dma_wait3A_162, %dma_wait3A_164, %dma_wait3A_165] : memref<5x80x8xf32, #tpu.memory_space<vmem>> -> memref<1x80x8xf32, #tpu.memory_space<vmem>>
      %dma_wait3A_167 = tpu.memref_squeeze %dma_wait3A_166 : memref<1x80x8xf32, #tpu.memory_space<vmem>> -> memref<80x8xf32, #tpu.memory_space<vmem>>
      %dma_wait3A_168 = arith.constant 0 : i32
      %dma_wait3A_169 = tpu.memref_slice %arg7[%add3A_161, %dma_wait3A_168] : memref<125x80xi32, #tpu.memory_space<vmem>> -> memref<1x80xi32, #tpu.memory_space<vmem>>
      %dma_wait3A_170 = tpu.memref_squeeze %dma_wait3A_169 : memref<1x80xi32, #tpu.memory_space<vmem>> -> memref<80xi32, #tpu.memory_space<vmem>>
      %dma_wait3A_171 = arith.constant 0 : i32
      %dma_wait3A_172 = arith.constant 0 : i32
      %dma_wait3A_173 = tpu.memref_slice %arg11[%dma_wait3A_171, %dma_wait3A_172] : memref<10240x8xf32, #tpu.memory_space<vmem_shared>> -> memref<10240x8xf32, #tpu.memory_space<vmem_shared>>
      %dma_wait3A_174 = tpu.memref_slice %arg12[%dma_wait3A_163] : memref<5x!tpu.dma_semaphore, #tpu.memory_space<semaphore_mem>> -> memref<1x!tpu.dma_semaphore, #tpu.memory_space<semaphore_mem>>
      %dma_wait3A_175 = tpu.memref_squeeze %dma_wait3A_174 : memref<1x!tpu.dma_semaphore, #tpu.memory_space<semaphore_mem>> -> memref<!tpu.dma_semaphore, #tpu.memory_space<semaphore_mem>>
      tpu.wait_indirect_dma semaphore(%dma_wait3A_175 : memref<!tpu.dma_semaphore, #tpu.memory_space<semaphore_mem>>) src(%dma_wait3A_173 : memref<10240x8xf32, #tpu.memory_space<vmem_shared>>) dst(%dma_wait3A_167 : memref<80x8xf32, #tpu.memory_space<vmem>>)
      %add3A_176 = arith.constant 2 : i32
      %add3A_177 = arith.addi %add3A_96, %add3A_176 : i32
      %dma_start3A_178 = arith.constant 2 : i32
      %dma_start3A_179 = arith.constant 2 : i32
      %dma_start3A_180 = arith.constant 0 : i32
      %dma_start3A_181 = arith.constant 0 : i32
      %dma_start3A_182 = tpu.memref_slice %arg9[%dma_start3A_178, %dma_start3A_180, %dma_start3A_181] : memref<5x80x8xf32, #tpu.memory_space<vmem>> -> memref<1x80x8xf32, #tpu.memory_space<vmem>>
      %dma_start3A_183 = tpu.memref_squeeze %dma_start3A_182 : memref<1x80x8xf32, #tpu.memory_space<vmem>> -> memref<80x8xf32, #tpu.memory_space<vmem>>
      %dma_start3A_184 = arith.constant 0 : i32
      %dma_start3A_185 = tpu.memref_slice %arg8[%add3A_177, %dma_start3A_184] : memref<125x80xi32, #tpu.memory_space<vmem>> -> memref<1x80xi32, #tpu.memory_space<vmem>>
      %dma_start3A_186 = tpu.memref_squeeze %dma_start3A_185 : memref<1x80xi32, #tpu.memory_space<vmem>> -> memref<80xi32, #tpu.memory_space<vmem>>
      %dma_start3A_187 = arith.constant 0 : i32
      %dma_start3A_188 = arith.constant 0 : i32
      %dma_start3A_189 = tpu.memref_slice %arg10[%dma_start3A_187, %dma_start3A_188] : memref<10240x8xf32, #tpu.memory_space<vmem_shared>> -> memref<10240x8xf32, #tpu.memory_space<vmem_shared>>
      %dma_start3A_190 = tpu.memref_slice %arg13[%dma_start3A_179] : memref<5x!tpu.dma_semaphore, #tpu.memory_space<semaphore_mem>> -> memref<1x!tpu.dma_semaphore, #tpu.memory_space<semaphore_mem>>
      %dma_start3A_191 = tpu.memref_squeeze %dma_start3A_190 : memref<1x!tpu.dma_semaphore, #tpu.memory_space<semaphore_mem>> -> memref<!tpu.dma_semaphore, #tpu.memory_space<semaphore_mem>>
      tpu.enqueue_indirect_dma source(%dma_start3A_183 : memref<80x8xf32, #tpu.memory_space<vmem>>) target(%dma_start3A_189 : memref<10240x8xf32, #tpu.memory_space<vmem_shared>>) offsets(%dma_start3A_186 : memref<80xi32, #tpu.memory_space<vmem>>) semaphore(%dma_start3A_191 : memref<!tpu.dma_semaphore, #tpu.memory_space<semaphore_mem>>) {add = true}
      %add3A_192 = arith.constant 3 : i32
      %add3A_193 = arith.addi %add3A_96, %add3A_192 : i32
      %dma_wait3A_194 = arith.constant 3 : i32
      %dma_wait3A_195 = arith.constant 3 : i32
      %dma_wait3A_196 = arith.constant 0 : i32
      %dma_wait3A_197 = arith.constant 0 : i32
      %dma_wait3A_198 = tpu.memref_slice %arg9[%dma_wait3A_194, %dma_wait3A_196, %dma_wait3A_197] : memref<5x80x8xf32, #tpu.memory_space<vmem>> -> memref<1x80x8xf32, #tpu.memory_space<vmem>>
      %dma_wait3A_199 = tpu.memref_squeeze %dma_wait3A_198 : memref<1x80x8xf32, #tpu.memory_space<vmem>> -> memref<80x8xf32, #tpu.memory_space<vmem>>
      %dma_wait3A_200 = arith.constant 0 : i32
      %dma_wait3A_201 = tpu.memref_slice %arg7[%add3A_193, %dma_wait3A_200] : memref<125x80xi32, #tpu.memory_space<vmem>> -> memref<1x80xi32, #tpu.memory_space<vmem>>
      %dma_wait3A_202 = tpu.memref_squeeze %dma_wait3A_201 : memref<1x80xi32, #tpu.memory_space<vmem>> -> memref<80xi32, #tpu.memory_space<vmem>>
      %dma_wait3A_203 = arith.constant 0 : i32
      %dma_wait3A_204 = arith.constant 0 : i32
      %dma_wait3A_205 = tpu.memref_slice %arg11[%dma_wait3A_203, %dma_wait3A_204] : memref<10240x8xf32, #tpu.memory_space<vmem_shared>> -> memref<10240x8xf32, #tpu.memory_space<vmem_shared>>
      %dma_wait3A_206 = tpu.memref_slice %arg12[%dma_wait3A_195] : memref<5x!tpu.dma_semaphore, #tpu.memory_space<semaphore_mem>> -> memref<1x!tpu.dma_semaphore, #tpu.memory_space<semaphore_mem>>
      %dma_wait3A_207 = tpu.memref_squeeze %dma_wait3A_206 : memref<1x!tpu.dma_semaphore, #tpu.memory_space<semaphore_mem>> -> memref<!tpu.dma_semaphore, #tpu.memory_space<semaphore_mem>>
      tpu.wait_indirect_dma semaphore(%dma_wait3A_207 : memref<!tpu.dma_semaphore, #tpu.memory_space<semaphore_mem>>) src(%dma_wait3A_205 : memref<10240x8xf32, #tpu.memory_space<vmem_shared>>) dst(%dma_wait3A_199 : memref<80x8xf32, #tpu.memory_space<vmem>>)
      %add3A_208 = arith.constant 3 : i32
      %add3A_209 = arith.addi %add3A_96, %add3A_208 : i32
      %dma_start3A_210 = arith.constant 3 : i32
      %dma_start3A_211 = arith.constant 3 : i32
      %dma_start3A_212 = arith.constant 0 : i32
      %dma_start3A_213 = arith.constant 0 : i32
      %dma_start3A_214 = tpu.memref_slice %arg9[%dma_start3A_210, %dma_start3A_212, %dma_start3A_213] : memref<5x80x8xf32, #tpu.memory_space<vmem>> -> memref<1x80x8xf32, #tpu.memory_space<vmem>>
      %dma_start3A_215 = tpu.memref_squeeze %dma_start3A_214 : memref<1x80x8xf32, #tpu.memory_space<vmem>> -> memref<80x8xf32, #tpu.memory_space<vmem>>
      %dma_start3A_216 = arith.constant 0 : i32
      %dma_start3A_217 = tpu.memref_slice %arg8[%add3A_209, %dma_start3A_216] : memref<125x80xi32, #tpu.memory_space<vmem>> -> memref<1x80xi32, #tpu.memory_space<vmem>>
      %dma_start3A_218 = tpu.memref_squeeze %dma_start3A_217 : memref<1x80xi32, #tpu.memory_space<vmem>> -> memref<80xi32, #tpu.memory_space<vmem>>
      %dma_start3A_219 = arith.constant 0 : i32
      %dma_start3A_220 = arith.constant 0 : i32
      %dma_start3A_221 = tpu.memref_slice %arg10[%dma_start3A_219, %dma_start3A_220] : memref<10240x8xf32, #tpu.memory_space<vmem_shared>> -> memref<10240x8xf32, #tpu.memory_space<vmem_shared>>
      %dma_start3A_222 = tpu.memref_slice %arg13[%dma_start3A_211] : memref<5x!tpu.dma_semaphore, #tpu.memory_space<semaphore_mem>> -> memref<1x!tpu.dma_semaphore, #tpu.memory_space<semaphore_mem>>
      %dma_start3A_223 = tpu.memref_squeeze %dma_start3A_222 : memref<1x!tpu.dma_semaphore, #tpu.memory_space<semaphore_mem>> -> memref<!tpu.dma_semaphore, #tpu.memory_space<semaphore_mem>>
      tpu.enqueue_indirect_dma source(%dma_start3A_215 : memref<80x8xf32, #tpu.memory_space<vmem>>) target(%dma_start3A_221 : memref<10240x8xf32, #tpu.memory_space<vmem_shared>>) offsets(%dma_start3A_218 : memref<80xi32, #tpu.memory_space<vmem>>) semaphore(%dma_start3A_223 : memref<!tpu.dma_semaphore, #tpu.memory_space<semaphore_mem>>) {add = true}
      %add3A_224 = arith.constant 4 : i32
      %add3A_225 = arith.addi %add3A_96, %add3A_224 : i32
      %dma_wait3A_226 = arith.constant 4 : i32
      %dma_wait3A_227 = arith.constant 4 : i32
      %dma_wait3A_228 = arith.constant 0 : i32
      %dma_wait3A_229 = arith.constant 0 : i32
      %dma_wait3A_230 = tpu.memref_slice %arg9[%dma_wait3A_226, %dma_wait3A_228, %dma_wait3A_229] : memref<5x80x8xf32, #tpu.memory_space<vmem>> -> memref<1x80x8xf32, #tpu.memory_space<vmem>>
      %dma_wait3A_231 = tpu.memref_squeeze %dma_wait3A_230 : memref<1x80x8xf32, #tpu.memory_space<vmem>> -> memref<80x8xf32, #tpu.memory_space<vmem>>
      %dma_wait3A_232 = arith.constant 0 : i32
      %dma_wait3A_233 = tpu.memref_slice %arg7[%add3A_225, %dma_wait3A_232] : memref<125x80xi32, #tpu.memory_space<vmem>> -> memref<1x80xi32, #tpu.memory_space<vmem>>
      %dma_wait3A_234 = tpu.memref_squeeze %dma_wait3A_233 : memref<1x80xi32, #tpu.memory_space<vmem>> -> memref<80xi32, #tpu.memory_space<vmem>>
      %dma_wait3A_235 = arith.constant 0 : i32
      %dma_wait3A_236 = arith.constant 0 : i32
      %dma_wait3A_237 = tpu.memref_slice %arg11[%dma_wait3A_235, %dma_wait3A_236] : memref<10240x8xf32, #tpu.memory_space<vmem_shared>> -> memref<10240x8xf32, #tpu.memory_space<vmem_shared>>
      %dma_wait3A_238 = tpu.memref_slice %arg12[%dma_wait3A_227] : memref<5x!tpu.dma_semaphore, #tpu.memory_space<semaphore_mem>> -> memref<1x!tpu.dma_semaphore, #tpu.memory_space<semaphore_mem>>
      %dma_wait3A_239 = tpu.memref_squeeze %dma_wait3A_238 : memref<1x!tpu.dma_semaphore, #tpu.memory_space<semaphore_mem>> -> memref<!tpu.dma_semaphore, #tpu.memory_space<semaphore_mem>>
      tpu.wait_indirect_dma semaphore(%dma_wait3A_239 : memref<!tpu.dma_semaphore, #tpu.memory_space<semaphore_mem>>) src(%dma_wait3A_237 : memref<10240x8xf32, #tpu.memory_space<vmem_shared>>) dst(%dma_wait3A_231 : memref<80x8xf32, #tpu.memory_space<vmem>>)
      %add3A_240 = arith.constant 4 : i32
      %add3A_241 = arith.addi %add3A_96, %add3A_240 : i32
      %dma_start3A_242 = arith.constant 4 : i32
      %dma_start3A_243 = arith.constant 4 : i32
      %dma_start3A_244 = arith.constant 0 : i32
      %dma_start3A_245 = arith.constant 0 : i32
      %dma_start3A_246 = tpu.memref_slice %arg9[%dma_start3A_242, %dma_start3A_244, %dma_start3A_245] : memref<5x80x8xf32, #tpu.memory_space<vmem>> -> memref<1x80x8xf32, #tpu.memory_space<vmem>>
      %dma_start3A_247 = tpu.memref_squeeze %dma_start3A_246 : memref<1x80x8xf32, #tpu.memory_space<vmem>> -> memref<80x8xf32, #tpu.memory_space<vmem>>
      %dma_start3A_248 = arith.constant 0 : i32
      %dma_start3A_249 = tpu.memref_slice %arg8[%add3A_241, %dma_start3A_248] : memref<125x80xi32, #tpu.memory_space<vmem>> -> memref<1x80xi32, #tpu.memory_space<vmem>>
      %dma_start3A_250 = tpu.memref_squeeze %dma_start3A_249 : memref<1x80xi32, #tpu.memory_space<vmem>> -> memref<80xi32, #tpu.memory_space<vmem>>
      %dma_start3A_251 = arith.constant 0 : i32
      %dma_start3A_252 = arith.constant 0 : i32
      %dma_start3A_253 = tpu.memref_slice %arg10[%dma_start3A_251, %dma_start3A_252] : memref<10240x8xf32, #tpu.memory_space<vmem_shared>> -> memref<10240x8xf32, #tpu.memory_space<vmem_shared>>
      %dma_start3A_254 = tpu.memref_slice %arg13[%dma_start3A_243] : memref<5x!tpu.dma_semaphore, #tpu.memory_space<semaphore_mem>> -> memref<1x!tpu.dma_semaphore, #tpu.memory_space<semaphore_mem>>
      %dma_start3A_255 = tpu.memref_squeeze %dma_start3A_254 : memref<1x!tpu.dma_semaphore, #tpu.memory_space<semaphore_mem>> -> memref<!tpu.dma_semaphore, #tpu.memory_space<semaphore_mem>>
      tpu.enqueue_indirect_dma source(%dma_start3A_247 : memref<80x8xf32, #tpu.memory_space<vmem>>) target(%dma_start3A_253 : memref<10240x8xf32, #tpu.memory_space<vmem_shared>>) offsets(%dma_start3A_250 : memref<80xi32, #tpu.memory_space<vmem>>) semaphore(%dma_start3A_255 : memref<!tpu.dma_semaphore, #tpu.memory_space<semaphore_mem>>) {add = true}
      %add3A_256 = arith.constant 0 : i32
      %add3A_257 = arith.addi %add3A_96, %add3A_256 : i32
      %dma_wait3A_258 = arith.constant 0 : i32
      %dma_wait3A_259 = arith.constant 0 : i32
      %dma_wait3A_260 = arith.constant 0 : i32
      %dma_wait3A_261 = arith.constant 0 : i32
      %dma_wait3A_262 = tpu.memref_slice %arg9[%dma_wait3A_258, %dma_wait3A_260, %dma_wait3A_261] : memref<5x80x8xf32, #tpu.memory_space<vmem>> -> memref<1x80x8xf32, #tpu.memory_space<vmem>>
      %dma_wait3A_263 = tpu.memref_squeeze %dma_wait3A_262 : memref<1x80x8xf32, #tpu.memory_space<vmem>> -> memref<80x8xf32, #tpu.memory_space<vmem>>
      %dma_wait3A_264 = arith.constant 0 : i32
      %dma_wait3A_265 = tpu.memref_slice %arg8[%add3A_257, %dma_wait3A_264] : memref<125x80xi32, #tpu.memory_space<vmem>> -> memref<1x80xi32, #tpu.memory_space<vmem>>
      %dma_wait3A_266 = tpu.memref_squeeze %dma_wait3A_265 : memref<1x80xi32, #tpu.memory_space<vmem>> -> memref<80xi32, #tpu.memory_space<vmem>>
      %dma_wait3A_267 = arith.constant 0 : i32
      %dma_wait3A_268 = arith.constant 0 : i32
      %dma_wait3A_269 = tpu.memref_slice %arg10[%dma_wait3A_267, %dma_wait3A_268] : memref<10240x8xf32, #tpu.memory_space<vmem_shared>> -> memref<10240x8xf32, #tpu.memory_space<vmem_shared>>
      %dma_wait3A_270 = tpu.memref_slice %arg13[%dma_wait3A_259] : memref<5x!tpu.dma_semaphore, #tpu.memory_space<semaphore_mem>> -> memref<1x!tpu.dma_semaphore, #tpu.memory_space<semaphore_mem>>
      %dma_wait3A_271 = tpu.memref_squeeze %dma_wait3A_270 : memref<1x!tpu.dma_semaphore, #tpu.memory_space<semaphore_mem>> -> memref<!tpu.dma_semaphore, #tpu.memory_space<semaphore_mem>>
      tpu.wait_indirect_dma semaphore(%dma_wait3A_271 : memref<!tpu.dma_semaphore, #tpu.memory_space<semaphore_mem>>) src(%dma_wait3A_263 : memref<80x8xf32, #tpu.memory_space<vmem>>) dst(%dma_wait3A_269 : memref<10240x8xf32, #tpu.memory_space<vmem_shared>>)
      %add3A_272 = arith.constant 5 : i32
      %add3A_273 = arith.addi %add3A_96, %add3A_272 : i32
      %add3A_274 = arith.constant 0 : i32
      %add3A_275 = arith.addi %add3A_273, %add3A_274 : i32
      %lt3A = arith.constant 125 : i32
      %lt3A_276 = arith.cmpi slt, %add3A_275, %lt3A : i32
      %convert_element_type3A = arith.extui %lt3A_276 : i1 to i32
      %cond3A = arith.constant 0 : i32
      %cond3A_277 = arith.cmpi ne, %convert_element_type3A, %cond3A : i32
      scf.if %cond3A_277 {
        %dma_start3A_378 = arith.constant 0 : i32
        %dma_start3A_379 = arith.constant 0 : i32
        %dma_start3A_380 = arith.constant 0 : i32
        %dma_start3A_381 = arith.constant 0 : i32
        %dma_start3A_382 = tpu.memref_slice %arg9[%dma_start3A_378, %dma_start3A_380, %dma_start3A_381] : memref<5x80x8xf32, #tpu.memory_space<vmem>> -> memref<1x80x8xf32, #tpu.memory_space<vmem>>
        %dma_start3A_383 = tpu.memref_squeeze %dma_start3A_382 : memref<1x80x8xf32, #tpu.memory_space<vmem>> -> memref<80x8xf32, #tpu.memory_space<vmem>>
        %dma_start3A_384 = arith.constant 0 : i32
        %dma_start3A_385 = tpu.memref_slice %arg7[%add3A_275, %dma_start3A_384] : memref<125x80xi32, #tpu.memory_space<vmem>> -> memref<1x80xi32, #tpu.memory_space<vmem>>
        %dma_start3A_386 = tpu.memref_squeeze %dma_start3A_385 : memref<1x80xi32, #tpu.memory_space<vmem>> -> memref<80xi32, #tpu.memory_space<vmem>>
        %dma_start3A_387 = arith.constant 0 : i32
        %dma_start3A_388 = arith.constant 0 : i32
        %dma_start3A_389 = tpu.memref_slice %arg11[%dma_start3A_387, %dma_start3A_388] : memref<10240x8xf32, #tpu.memory_space<vmem_shared>> -> memref<10240x8xf32, #tpu.memory_space<vmem_shared>>
        %dma_start3A_390 = tpu.memref_slice %arg12[%dma_start3A_379] : memref<5x!tpu.dma_semaphore, #tpu.memory_space<semaphore_mem>> -> memref<1x!tpu.dma_semaphore, #tpu.memory_space<semaphore_mem>>
        %dma_start3A_391 = tpu.memref_squeeze %dma_start3A_390 : memref<1x!tpu.dma_semaphore, #tpu.memory_space<semaphore_mem>> -> memref<!tpu.dma_semaphore, #tpu.memory_space<semaphore_mem>>
        tpu.enqueue_indirect_dma source(%dma_start3A_389 : memref<10240x8xf32, #tpu.memory_space<vmem_shared>>) target(%dma_start3A_383 : memref<80x8xf32, #tpu.memory_space<vmem>>) offsets(%dma_start3A_386 : memref<80xi32, #tpu.memory_space<vmem>>) semaphore(%dma_start3A_391 : memref<!tpu.dma_semaphore, #tpu.memory_space<semaphore_mem>>)
      } else {
      }
      %add3A_278 = arith.constant 1 : i32
      %add3A_279 = arith.addi %add3A_96, %add3A_278 : i32
      %dma_wait3A_280 = arith.constant 1 : i32
      %dma_wait3A_281 = arith.constant 1 : i32
      %dma_wait3A_282 = arith.constant 0 : i32
      %dma_wait3A_283 = arith.constant 0 : i32
      %dma_wait3A_284 = tpu.memref_slice %arg9[%dma_wait3A_280, %dma_wait3A_282, %dma_wait3A_283] : memref<5x80x8xf32, #tpu.memory_space<vmem>> -> memref<1x80x8xf32, #tpu.memory_space<vmem>>
      %dma_wait3A_285 = tpu.memref_squeeze %dma_wait3A_284 : memref<1x80x8xf32, #tpu.memory_space<vmem>> -> memref<80x8xf32, #tpu.memory_space<vmem>>
      %dma_wait3A_286 = arith.constant 0 : i32
      %dma_wait3A_287 = tpu.memref_slice %arg8[%add3A_279, %dma_wait3A_286] : memref<125x80xi32, #tpu.memory_space<vmem>> -> memref<1x80xi32, #tpu.memory_space<vmem>>
      %dma_wait3A_288 = tpu.memref_squeeze %dma_wait3A_287 : memref<1x80xi32, #tpu.memory_space<vmem>> -> memref<80xi32, #tpu.memory_space<vmem>>
      %dma_wait3A_289 = arith.constant 0 : i32
      %dma_wait3A_290 = arith.constant 0 : i32
      %dma_wait3A_291 = tpu.memref_slice %arg10[%dma_wait3A_289, %dma_wait3A_290] : memref<10240x8xf32, #tpu.memory_space<vmem_shared>> -> memref<10240x8xf32, #tpu.memory_space<vmem_shared>>
      %dma_wait3A_292 = tpu.memref_slice %arg13[%dma_wait3A_281] : memref<5x!tpu.dma_semaphore, #tpu.memory_space<semaphore_mem>> -> memref<1x!tpu.dma_semaphore, #tpu.memory_space<semaphore_mem>>
      %dma_wait3A_293 = tpu.memref_squeeze %dma_wait3A_292 : memref<1x!tpu.dma_semaphore, #tpu.memory_space<semaphore_mem>> -> memref<!tpu.dma_semaphore, #tpu.memory_space<semaphore_mem>>
      tpu.wait_indirect_dma semaphore(%dma_wait3A_293 : memref<!tpu.dma_semaphore, #tpu.memory_space<semaphore_mem>>) src(%dma_wait3A_285 : memref<80x8xf32, #tpu.memory_space<vmem>>) dst(%dma_wait3A_291 : memref<10240x8xf32, #tpu.memory_space<vmem_shared>>)
      %add3A_294 = arith.constant 5 : i32
      %add3A_295 = arith.addi %add3A_96, %add3A_294 : i32
      %add3A_296 = arith.constant 1 : i32
      %add3A_297 = arith.addi %add3A_295, %add3A_296 : i32
      %lt3A_298 = arith.constant 125 : i32
      %lt3A_299 = arith.cmpi slt, %add3A_297, %lt3A_298 : i32
      %convert_element_type3A_300 = arith.extui %lt3A_299 : i1 to i32
      %cond3A_301 = arith.constant 0 : i32
      %cond3A_302 = arith.cmpi ne, %convert_element_type3A_300, %cond3A_301 : i32
      scf.if %cond3A_302 {
        %dma_start3A_378 = arith.constant 1 : i32
        %dma_start3A_379 = arith.constant 1 : i32
        %dma_start3A_380 = arith.constant 0 : i32
        %dma_start3A_381 = arith.constant 0 : i32
        %dma_start3A_382 = tpu.memref_slice %arg9[%dma_start3A_378, %dma_start3A_380, %dma_start3A_381] : memref<5x80x8xf32, #tpu.memory_space<vmem>> -> memref<1x80x8xf32, #tpu.memory_space<vmem>>
        %dma_start3A_383 = tpu.memref_squeeze %dma_start3A_382 : memref<1x80x8xf32, #tpu.memory_space<vmem>> -> memref<80x8xf32, #tpu.memory_space<vmem>>
        %dma_start3A_384 = arith.constant 0 : i32
        %dma_start3A_385 = tpu.memref_slice %arg7[%add3A_297, %dma_start3A_384] : memref<125x80xi32, #tpu.memory_space<vmem>> -> memref<1x80xi32, #tpu.memory_space<vmem>>
        %dma_start3A_386 = tpu.memref_squeeze %dma_start3A_385 : memref<1x80xi32, #tpu.memory_space<vmem>> -> memref<80xi32, #tpu.memory_space<vmem>>
        %dma_start3A_387 = arith.constant 0 : i32
        %dma_start3A_388 = arith.constant 0 : i32
        %dma_start3A_389 = tpu.memref_slice %arg11[%dma_start3A_387, %dma_start3A_388] : memref<10240x8xf32, #tpu.memory_space<vmem_shared>> -> memref<10240x8xf32, #tpu.memory_space<vmem_shared>>
        %dma_start3A_390 = tpu.memref_slice %arg12[%dma_start3A_379] : memref<5x!tpu.dma_semaphore, #tpu.memory_space<semaphore_mem>> -> memref<1x!tpu.dma_semaphore, #tpu.memory_space<semaphore_mem>>
        %dma_start3A_391 = tpu.memref_squeeze %dma_start3A_390 : memref<1x!tpu.dma_semaphore, #tpu.memory_space<semaphore_mem>> -> memref<!tpu.dma_semaphore, #tpu.memory_space<semaphore_mem>>
        tpu.enqueue_indirect_dma source(%dma_start3A_389 : memref<10240x8xf32, #tpu.memory_space<vmem_shared>>) target(%dma_start3A_383 : memref<80x8xf32, #tpu.memory_space<vmem>>) offsets(%dma_start3A_386 : memref<80xi32, #tpu.memory_space<vmem>>) semaphore(%dma_start3A_391 : memref<!tpu.dma_semaphore, #tpu.memory_space<semaphore_mem>>)
      } else {
      }
      %add3A_303 = arith.constant 2 : i32
      %add3A_304 = arith.addi %add3A_96, %add3A_303 : i32
      %dma_wait3A_305 = arith.constant 2 : i32
      %dma_wait3A_306 = arith.constant 2 : i32
      %dma_wait3A_307 = arith.constant 0 : i32
      %dma_wait3A_308 = arith.constant 0 : i32
      %dma_wait3A_309 = tpu.memref_slice %arg9[%dma_wait3A_305, %dma_wait3A_307, %dma_wait3A_308] : memref<5x80x8xf32, #tpu.memory_space<vmem>> -> memref<1x80x8xf32, #tpu.memory_space<vmem>>
      %dma_wait3A_310 = tpu.memref_squeeze %dma_wait3A_309 : memref<1x80x8xf32, #tpu.memory_space<vmem>> -> memref<80x8xf32, #tpu.memory_space<vmem>>
      %dma_wait3A_311 = arith.constant 0 : i32
      %dma_wait3A_312 = tpu.memref_slice %arg8[%add3A_304, %dma_wait3A_311] : memref<125x80xi32, #tpu.memory_space<vmem>> -> memref<1x80xi32, #tpu.memory_space<vmem>>
      %dma_wait3A_313 = tpu.memref_squeeze %dma_wait3A_312 : memref<1x80xi32, #tpu.memory_space<vmem>> -> memref<80xi32, #tpu.memory_space<vmem>>
      %dma_wait3A_314 = arith.constant 0 : i32
      %dma_wait3A_315 = arith.constant 0 : i32
      %dma_wait3A_316 = tpu.memref_slice %arg10[%dma_wait3A_314, %dma_wait3A_315] : memref<10240x8xf32, #tpu.memory_space<vmem_shared>> -> memref<10240x8xf32, #tpu.memory_space<vmem_shared>>
      %dma_wait3A_317 = tpu.memref_slice %arg13[%dma_wait3A_306] : memref<5x!tpu.dma_semaphore, #tpu.memory_space<semaphore_mem>> -> memref<1x!tpu.dma_semaphore, #tpu.memory_space<semaphore_mem>>
      %dma_wait3A_318 = tpu.memref_squeeze %dma_wait3A_317 : memref<1x!tpu.dma_semaphore, #tpu.memory_space<semaphore_mem>> -> memref<!tpu.dma_semaphore, #tpu.memory_space<semaphore_mem>>
      tpu.wait_indirect_dma semaphore(%dma_wait3A_318 : memref<!tpu.dma_semaphore, #tpu.memory_space<semaphore_mem>>) src(%dma_wait3A_310 : memref<80x8xf32, #tpu.memory_space<vmem>>) dst(%dma_wait3A_316 : memref<10240x8xf32, #tpu.memory_space<vmem_shared>>)
      %add3A_319 = arith.constant 5 : i32
      %add3A_320 = arith.addi %add3A_96, %add3A_319 : i32
      %add3A_321 = arith.constant 2 : i32
      %add3A_322 = arith.addi %add3A_320, %add3A_321 : i32
      %lt3A_323 = arith.constant 125 : i32
      %lt3A_324 = arith.cmpi slt, %add3A_322, %lt3A_323 : i32
      %convert_element_type3A_325 = arith.extui %lt3A_324 : i1 to i32
      %cond3A_326 = arith.constant 0 : i32
      %cond3A_327 = arith.cmpi ne, %convert_element_type3A_325, %cond3A_326 : i32
      scf.if %cond3A_327 {
        %dma_start3A_378 = arith.constant 2 : i32
        %dma_start3A_379 = arith.constant 2 : i32
        %dma_start3A_380 = arith.constant 0 : i32
        %dma_start3A_381 = arith.constant 0 : i32
        %dma_start3A_382 = tpu.memref_slice %arg9[%dma_start3A_378, %dma_start3A_380, %dma_start3A_381] : memref<5x80x8xf32, #tpu.memory_space<vmem>> -> memref<1x80x8xf32, #tpu.memory_space<vmem>>
        %dma_start3A_383 = tpu.memref_squeeze %dma_start3A_382 : memref<1x80x8xf32, #tpu.memory_space<vmem>> -> memref<80x8xf32, #tpu.memory_space<vmem>>
        %dma_start3A_384 = arith.constant 0 : i32
        %dma_start3A_385 = tpu.memref_slice %arg7[%add3A_322, %dma_start3A_384] : memref<125x80xi32, #tpu.memory_space<vmem>> -> memref<1x80xi32, #tpu.memory_space<vmem>>
        %dma_start3A_386 = tpu.memref_squeeze %dma_start3A_385 : memref<1x80xi32, #tpu.memory_space<vmem>> -> memref<80xi32, #tpu.memory_space<vmem>>
        %dma_start3A_387 = arith.constant 0 : i32
        %dma_start3A_388 = arith.constant 0 : i32
        %dma_start3A_389 = tpu.memref_slice %arg11[%dma_start3A_387, %dma_start3A_388] : memref<10240x8xf32, #tpu.memory_space<vmem_shared>> -> memref<10240x8xf32, #tpu.memory_space<vmem_shared>>
        %dma_start3A_390 = tpu.memref_slice %arg12[%dma_start3A_379] : memref<5x!tpu.dma_semaphore, #tpu.memory_space<semaphore_mem>> -> memref<1x!tpu.dma_semaphore, #tpu.memory_space<semaphore_mem>>
        %dma_start3A_391 = tpu.memref_squeeze %dma_start3A_390 : memref<1x!tpu.dma_semaphore, #tpu.memory_space<semaphore_mem>> -> memref<!tpu.dma_semaphore, #tpu.memory_space<semaphore_mem>>
        tpu.enqueue_indirect_dma source(%dma_start3A_389 : memref<10240x8xf32, #tpu.memory_space<vmem_shared>>) target(%dma_start3A_383 : memref<80x8xf32, #tpu.memory_space<vmem>>) offsets(%dma_start3A_386 : memref<80xi32, #tpu.memory_space<vmem>>) semaphore(%dma_start3A_391 : memref<!tpu.dma_semaphore, #tpu.memory_space<semaphore_mem>>)
      } else {
      }
      %add3A_328 = arith.constant 3 : i32
      %add3A_329 = arith.addi %add3A_96, %add3A_328 : i32
      %dma_wait3A_330 = arith.constant 3 : i32
      %dma_wait3A_331 = arith.constant 3 : i32
      %dma_wait3A_332 = arith.constant 0 : i32
      %dma_wait3A_333 = arith.constant 0 : i32
      %dma_wait3A_334 = tpu.memref_slice %arg9[%dma_wait3A_330, %dma_wait3A_332, %dma_wait3A_333] : memref<5x80x8xf32, #tpu.memory_space<vmem>> -> memref<1x80x8xf32, #tpu.memory_space<vmem>>
      %dma_wait3A_335 = tpu.memref_squeeze %dma_wait3A_334 : memref<1x80x8xf32, #tpu.memory_space<vmem>> -> memref<80x8xf32, #tpu.memory_space<vmem>>
      %dma_wait3A_336 = arith.constant 0 : i32
      %dma_wait3A_337 = tpu.memref_slice %arg8[%add3A_329, %dma_wait3A_336] : memref<125x80xi32, #tpu.memory_space<vmem>> -> memref<1x80xi32, #tpu.memory_space<vmem>>
      %dma_wait3A_338 = tpu.memref_squeeze %dma_wait3A_337 : memref<1x80xi32, #tpu.memory_space<vmem>> -> memref<80xi32, #tpu.memory_space<vmem>>
      %dma_wait3A_339 = arith.constant 0 : i32
      %dma_wait3A_340 = arith.constant 0 : i32
      %dma_wait3A_341 = tpu.memref_slice %arg10[%dma_wait3A_339, %dma_wait3A_340] : memref<10240x8xf32, #tpu.memory_space<vmem_shared>> -> memref<10240x8xf32, #tpu.memory_space<vmem_shared>>
      %dma_wait3A_342 = tpu.memref_slice %arg13[%dma_wait3A_331] : memref<5x!tpu.dma_semaphore, #tpu.memory_space<semaphore_mem>> -> memref<1x!tpu.dma_semaphore, #tpu.memory_space<semaphore_mem>>
      %dma_wait3A_343 = tpu.memref_squeeze %dma_wait3A_342 : memref<1x!tpu.dma_semaphore, #tpu.memory_space<semaphore_mem>> -> memref<!tpu.dma_semaphore, #tpu.memory_space<semaphore_mem>>
      tpu.wait_indirect_dma semaphore(%dma_wait3A_343 : memref<!tpu.dma_semaphore, #tpu.memory_space<semaphore_mem>>) src(%dma_wait3A_335 : memref<80x8xf32, #tpu.memory_space<vmem>>) dst(%dma_wait3A_341 : memref<10240x8xf32, #tpu.memory_space<vmem_shared>>)
      %add3A_344 = arith.constant 5 : i32
      %add3A_345 = arith.addi %add3A_96, %add3A_344 : i32
      %add3A_346 = arith.constant 3 : i32
      %add3A_347 = arith.addi %add3A_345, %add3A_346 : i32
      %lt3A_348 = arith.constant 125 : i32
      %lt3A_349 = arith.cmpi slt, %add3A_347, %lt3A_348 : i32
      %convert_element_type3A_350 = arith.extui %lt3A_349 : i1 to i32
      %cond3A_351 = arith.constant 0 : i32
      %cond3A_352 = arith.cmpi ne, %convert_element_type3A_350, %cond3A_351 : i32
      scf.if %cond3A_352 {
        %dma_start3A_378 = arith.constant 3 : i32
        %dma_start3A_379 = arith.constant 3 : i32
        %dma_start3A_380 = arith.constant 0 : i32
        %dma_start3A_381 = arith.constant 0 : i32
        %dma_start3A_382 = tpu.memref_slice %arg9[%dma_start3A_378, %dma_start3A_380, %dma_start3A_381] : memref<5x80x8xf32, #tpu.memory_space<vmem>> -> memref<1x80x8xf32, #tpu.memory_space<vmem>>
        %dma_start3A_383 = tpu.memref_squeeze %dma_start3A_382 : memref<1x80x8xf32, #tpu.memory_space<vmem>> -> memref<80x8xf32, #tpu.memory_space<vmem>>
        %dma_start3A_384 = arith.constant 0 : i32
        %dma_start3A_385 = tpu.memref_slice %arg7[%add3A_347, %dma_start3A_384] : memref<125x80xi32, #tpu.memory_space<vmem>> -> memref<1x80xi32, #tpu.memory_space<vmem>>
        %dma_start3A_386 = tpu.memref_squeeze %dma_start3A_385 : memref<1x80xi32, #tpu.memory_space<vmem>> -> memref<80xi32, #tpu.memory_space<vmem>>
        %dma_start3A_387 = arith.constant 0 : i32
        %dma_start3A_388 = arith.constant 0 : i32
        %dma_start3A_389 = tpu.memref_slice %arg11[%dma_start3A_387, %dma_start3A_388] : memref<10240x8xf32, #tpu.memory_space<vmem_shared>> -> memref<10240x8xf32, #tpu.memory_space<vmem_shared>>
        %dma_start3A_390 = tpu.memref_slice %arg12[%dma_start3A_379] : memref<5x!tpu.dma_semaphore, #tpu.memory_space<semaphore_mem>> -> memref<1x!tpu.dma_semaphore, #tpu.memory_space<semaphore_mem>>
        %dma_start3A_391 = tpu.memref_squeeze %dma_start3A_390 : memref<1x!tpu.dma_semaphore, #tpu.memory_space<semaphore_mem>> -> memref<!tpu.dma_semaphore, #tpu.memory_space<semaphore_mem>>
        tpu.enqueue_indirect_dma source(%dma_start3A_389 : memref<10240x8xf32, #tpu.memory_space<vmem_shared>>) target(%dma_start3A_383 : memref<80x8xf32, #tpu.memory_space<vmem>>) offsets(%dma_start3A_386 : memref<80xi32, #tpu.memory_space<vmem>>) semaphore(%dma_start3A_391 : memref<!tpu.dma_semaphore, #tpu.memory_space<semaphore_mem>>)
      } else {
      }
      %add3A_353 = arith.constant 4 : i32
      %add3A_354 = arith.addi %add3A_96, %add3A_353 : i32
      %dma_wait3A_355 = arith.constant 4 : i32
      %dma_wait3A_356 = arith.constant 4 : i32
      %dma_wait3A_357 = arith.constant 0 : i32
      %dma_wait3A_358 = arith.constant 0 : i32
      %dma_wait3A_359 = tpu.memref_slice %arg9[%dma_wait3A_355, %dma_wait3A_357, %dma_wait3A_358] : memref<5x80x8xf32, #tpu.memory_space<vmem>> -> memref<1x80x8xf32, #tpu.memory_space<vmem>>
      %dma_wait3A_360 = tpu.memref_squeeze %dma_wait3A_359 : memref<1x80x8xf32, #tpu.memory_space<vmem>> -> memref<80x8xf32, #tpu.memory_space<vmem>>
      %dma_wait3A_361 = arith.constant 0 : i32
      %dma_wait3A_362 = tpu.memref_slice %arg8[%add3A_354, %dma_wait3A_361] : memref<125x80xi32, #tpu.memory_space<vmem>> -> memref<1x80xi32, #tpu.memory_space<vmem>>
      %dma_wait3A_363 = tpu.memref_squeeze %dma_wait3A_362 : memref<1x80xi32, #tpu.memory_space<vmem>> -> memref<80xi32, #tpu.memory_space<vmem>>
      %dma_wait3A_364 = arith.constant 0 : i32
      %dma_wait3A_365 = arith.constant 0 : i32
      %dma_wait3A_366 = tpu.memref_slice %arg10[%dma_wait3A_364, %dma_wait3A_365] : memref<10240x8xf32, #tpu.memory_space<vmem_shared>> -> memref<10240x8xf32, #tpu.memory_space<vmem_shared>>
      %dma_wait3A_367 = tpu.memref_slice %arg13[%dma_wait3A_356] : memref<5x!tpu.dma_semaphore, #tpu.memory_space<semaphore_mem>> -> memref<1x!tpu.dma_semaphore, #tpu.memory_space<semaphore_mem>>
      %dma_wait3A_368 = tpu.memref_squeeze %dma_wait3A_367 : memref<1x!tpu.dma_semaphore, #tpu.memory_space<semaphore_mem>> -> memref<!tpu.dma_semaphore, #tpu.memory_space<semaphore_mem>>
      tpu.wait_indirect_dma semaphore(%dma_wait3A_368 : memref<!tpu.dma_semaphore, #tpu.memory_space<semaphore_mem>>) src(%dma_wait3A_360 : memref<80x8xf32, #tpu.memory_space<vmem>>) dst(%dma_wait3A_366 : memref<10240x8xf32, #tpu.memory_space<vmem_shared>>)
      %add3A_369 = arith.constant 5 : i32
      %add3A_370 = arith.addi %add3A_96, %add3A_369 : i32
      %add3A_371 = arith.constant 4 : i32
      %add3A_372 = arith.addi %add3A_370, %add3A_371 : i32
      %lt3A_373 = arith.constant 125 : i32
      %lt3A_374 = arith.cmpi slt, %add3A_372, %lt3A_373 : i32
      %convert_element_type3A_375 = arith.extui %lt3A_374 : i1 to i32
      %cond3A_376 = arith.constant 0 : i32
      %cond3A_377 = arith.cmpi ne, %convert_element_type3A_375, %cond3A_376 : i32
      scf.if %cond3A_377 {
        %dma_start3A_378 = arith.constant 4 : i32
        %dma_start3A_379 = arith.constant 4 : i32
        %dma_start3A_380 = arith.constant 0 : i32
        %dma_start3A_381 = arith.constant 0 : i32
        %dma_start3A_382 = tpu.memref_slice %arg9[%dma_start3A_378, %dma_start3A_380, %dma_start3A_381] : memref<5x80x8xf32, #tpu.memory_space<vmem>> -> memref<1x80x8xf32, #tpu.memory_space<vmem>>
        %dma_start3A_383 = tpu.memref_squeeze %dma_start3A_382 : memref<1x80x8xf32, #tpu.memory_space<vmem>> -> memref<80x8xf32, #tpu.memory_space<vmem>>
        %dma_start3A_384 = arith.constant 0 : i32
        %dma_start3A_385 = tpu.memref_slice %arg7[%add3A_372, %dma_start3A_384] : memref<125x80xi32, #tpu.memory_space<vmem>> -> memref<1x80xi32, #tpu.memory_space<vmem>>
        %dma_start3A_386 = tpu.memref_squeeze %dma_start3A_385 : memref<1x80xi32, #tpu.memory_space<vmem>> -> memref<80xi32, #tpu.memory_space<vmem>>
        %dma_start3A_387 = arith.constant 0 : i32
        %dma_start3A_388 = arith.constant 0 : i32
        %dma_start3A_389 = tpu.memref_slice %arg11[%dma_start3A_387, %dma_start3A_388] : memref<10240x8xf32, #tpu.memory_space<vmem_shared>> -> memref<10240x8xf32, #tpu.memory_space<vmem_shared>>
        %dma_start3A_390 = tpu.memref_slice %arg12[%dma_start3A_379] : memref<5x!tpu.dma_semaphore, #tpu.memory_space<semaphore_mem>> -> memref<1x!tpu.dma_semaphore, #tpu.memory_space<semaphore_mem>>
        %dma_start3A_391 = tpu.memref_squeeze %dma_start3A_390 : memref<1x!tpu.dma_semaphore, #tpu.memory_space<semaphore_mem>> -> memref<!tpu.dma_semaphore, #tpu.memory_space<semaphore_mem>>
        tpu.enqueue_indirect_dma source(%dma_start3A_389 : memref<10240x8xf32, #tpu.memory_space<vmem_shared>>) target(%dma_start3A_383 : memref<80x8xf32, #tpu.memory_space<vmem>>) offsets(%dma_start3A_386 : memref<80xi32, #tpu.memory_space<vmem>>) semaphore(%dma_start3A_391 : memref<!tpu.dma_semaphore, #tpu.memory_space<semaphore_mem>>)
      } else {
      }
    }
    %scan3A_86 = arith.constant 25 : i32
    %barrier3A_87 = arith.constant 0 : index
    tpu.barrier barrier_id(%barrier3A_87)
    %mul3A_88 = arith.constant 640 : i32
    %mul3A_89 = arith.muli %arg1, %mul3A_88 : i32
    %mul3A_90 = arith.constant 640 : i32
    %mul3A_91 = arith.muli %arg1, %mul3A_90 : i32
    "tpu.region"() ({
      %run_scoped3A = tpu.sem_alloc : memref<!tpu.dma_semaphore, #tpu.memory_space<semaphore_mem>>
      %dma_start3A_92 = arith.constant 0 : i32
      %dma_start3A_93 = tpu.memref_slice %arg6[%arg0, %mul3A_91, %dma_start3A_92] : memref<2x10240x8xf32, #tpu.memory_space<hbm>> -> memref<1x640x8xf32, #tpu.memory_space<hbm>>
      %dma_start3A_94 = tpu.memref_squeeze %dma_start3A_93 : memref<1x640x8xf32, #tpu.memory_space<hbm>> -> memref<640x8xf32, #tpu.memory_space<hbm>>
      %dma_start3A_95 = arith.constant 0 : i32
      %dma_start3A_96 = tpu.memref_slice %arg10[%mul3A_89, %dma_start3A_95] : memref<10240x8xf32, #tpu.memory_space<vmem_shared>> -> memref<640x8xf32, #tpu.memory_space<vmem_shared>>
      tpu.enqueue_dma source(%dma_start3A_96 : memref<640x8xf32, #tpu.memory_space<vmem_shared>>) target(%dma_start3A_94 : memref<640x8xf32, #tpu.memory_space<hbm>>) target_semaphore(%run_scoped3A : memref<!tpu.dma_semaphore, #tpu.memory_space<semaphore_mem>>)
      %dma_wait3A = arith.constant 0 : i32
      %dma_wait3A_97 = tpu.memref_slice %arg6[%arg0, %mul3A_91, %dma_wait3A] : memref<2x10240x8xf32, #tpu.memory_space<hbm>> -> memref<1x640x8xf32, #tpu.memory_space<hbm>>
      %dma_wait3A_98 = tpu.memref_squeeze %dma_wait3A_97 : memref<1x640x8xf32, #tpu.memory_space<hbm>> -> memref<640x8xf32, #tpu.memory_space<hbm>>
      %dma_wait3A_99 = arith.constant 0 : i32
      %dma_wait3A_100 = tpu.memref_slice %arg10[%mul3A_89, %dma_wait3A_99] : memref<10240x8xf32, #tpu.memory_space<vmem_shared>> -> memref<640x8xf32, #tpu.memory_space<vmem_shared>>
      tpu.wait_dma2 semaphore(%run_scoped3A : memref<!tpu.dma_semaphore, #tpu.memory_space<semaphore_mem>>) src(%dma_wait3A_100 : memref<640x8xf32, #tpu.memory_space<vmem_shared>>) dst(%dma_wait3A_98 : memref<640x8xf32, #tpu.memory_space<hbm>>)
      tpu.yield
    }) : () -> ()
    return
  }
}

module attributes {stable_mosaic.version = 14 : i64} {
  func.func @_mm_body(%arg0: i32, %arg1: memref<1000x128xf32, #tpu.memory_space<vmem>>, %arg2: memref<128x24xf32, #tpu.memory_space<vmem>>, %arg3: memref<1000x24xf32, #tpu.memory_space<vmem>>) attributes {dimension_semantics = [#tpu.dimension_semantics<arbitrary>], iteration_bounds = array<i64: 10>, scalar_prefetch = 0 : i64, scratch_operands = 0 : i64, tpu.core_type = #tpu.core_type<tc>, window_params = [{transform_indices = @transform_0, window_bounds = array<i64: 1000, 128>}, {pipeline_mode = #tpu.pipeline_mode<synchronous>, transform_indices = @transform_1, window_bounds = array<i64: 128, 24>}, {transform_indices = @transform_2, window_bounds = array<i64: 1000, 24>}]} {
    %get3A = arith.constant 0 : index
    %get3A_0 = arith.constant 0 : index
    %get3A_1 = vector.load %arg1[%get3A, %get3A_0] : memref<1000x128xf32, #tpu.memory_space<vmem>>, vector<1000x128xf32>
    %get3A_2 = arith.constant 0 : index
    %get3A_3 = arith.constant 0 : index
    %get3A_4 = vector.load %arg2[%get3A_2, %get3A_3] : memref<128x24xf32, #tpu.memory_space<vmem>>, vector<128x24xf32>
    %dot_general3A = arith.constant dense<0.000000e+00> : vector<1000x24xf32>
    %dot_general3A_5 = tpu.matmul %get3A_1, %get3A_4, %dot_general3A {dimension_numbers = #tpu.dot_dimension_numbers<[1], [0], [0], [1], [0, 0, 1, 1], [], []>, transpose_lhs_hint = false} : vector<1000x128xf32>, vector<128x24xf32>, vector<1000x24xf32> -> vector<1000x24xf32>
    %swap3A = arith.constant 0 : index
    %swap3A_6 = arith.constant 0 : index
    %swap3A_7 = vector.load %arg3[%swap3A, %swap3A_6] : memref<1000x24xf32, #tpu.memory_space<vmem>>, vector<1000x24xf32>
    tpu.vector_store %arg3[%swap3A, %swap3A_6], %dot_general3A_5 {strides = array<i32>} : memref<1000x24xf32, #tpu.memory_space<vmem>>, vector<1000x24xf32>,
    return
  }
  func.func @transform_0(%arg0: i32) -> (i32, i32) {
    %c0_i32 = arith.constant 0 : i32
    %c0_i32_0 = arith.constant 0 : i32
    return %arg0, %c0_i32 : i32, i32
  }
  func.func @transform_1(%arg0: i32) -> (i32, i32) {
    %c0_i32 = arith.constant 0 : i32
    %c0_i32_0 = arith.constant 0 : i32
    %c0_i32_1 = arith.constant 0 : i32
    return %c0_i32, %c0_i32_0 : i32, i32
  }
  func.func @transform_2(%arg0: i32) -> (i32, i32) {
    %c0_i32 = arith.constant 0 : i32
    %c0_i32_0 = arith.constant 0 : i32
    return %arg0, %c0_i32 : i32, i32
  }
}

module attributes {stable_mosaic.version = 14 : i64} {
  func.func @_fused_body(%arg0: i32, %arg1: memref<1024x24xf32, #tpu.memory_space<vmem>>, %arg2: memref<1024x24xf32, #tpu.memory_space<vmem>>, %arg3: memref<1x24xf32, #tpu.memory_space<vmem>>, %arg4: memref<24x8xf32, #tpu.memory_space<vmem>>, %arg5: memref<1024x8xf32, #tpu.memory_space<vmem>>) attributes {dimension_semantics = [#tpu.dimension_semantics<arbitrary>], iteration_bounds = array<i64: 10>, scalar_prefetch = 0 : i64, scratch_operands = 0 : i64, tpu.core_type = #tpu.core_type<tc>, window_params = [{transform_indices = @transform_0, window_bounds = array<i64: 1024, 24>}, {transform_indices = @transform_1, window_bounds = array<i64: 1024, 24>}, {pipeline_mode = #tpu.pipeline_mode<synchronous>, transform_indices = @transform_2, window_bounds = array<i64: 1, 24>}, {pipeline_mode = #tpu.pipeline_mode<synchronous>, transform_indices = @transform_3, window_bounds = array<i64: 24, 8>}, {transform_indices = @transform_4, window_bounds = array<i64: 1024, 8>}]} {
    %get3A = arith.constant 0 : index
    %get3A_0 = arith.constant 0 : index
    %get3A_1 = vector.load %arg1[%get3A, %get3A_0] : memref<1024x24xf32, #tpu.memory_space<vmem>>, vector<1024x24xf32>
    %get3A_2 = arith.constant 0 : index
    %get3A_3 = arith.constant 0 : index
    %get3A_4 = vector.load %arg2[%get3A_2, %get3A_3] : memref<1024x24xf32, #tpu.memory_space<vmem>>, vector<1024x24xf32>
    %add3A = arith.addf %get3A_1, %get3A_4 : vector<1024x24xf32>
    %get3A_5 = arith.constant 0 : index
    %get3A_6 = arith.constant 0 : index
    %get3A_7 = vector.load %arg3[%get3A_5, %get3A_6] : memref<1x24xf32, #tpu.memory_space<vmem>>, vector<1x24xf32>
    %add3A_8 = vector.broadcast %get3A_7 : vector<1x24xf32> to vector<1024x24xf32>
    %add3A_9 = arith.addf %add3A, %add3A_8 : vector<1024x24xf32>
    %max3A = arith.constant 0.000000e+00 : f32
    %max3A_10 = vector.broadcast %max3A : f32 to vector<1024x24xf32>
    %max3A_11 = arith.maximumf %add3A_9, %max3A_10 : vector<1024x24xf32>
    %get3A_12 = arith.constant 0 : index
    %get3A_13 = arith.constant 0 : index
    %get3A_14 = vector.load %arg4[%get3A_12, %get3A_13] : memref<24x8xf32, #tpu.memory_space<vmem>>, vector<24x8xf32>
    %dot_general3A = arith.constant dense<0.000000e+00> : vector<1024x8xf32>
    %dot_general3A_15 = tpu.matmul %max3A_11, %get3A_14, %dot_general3A {dimension_numbers = #tpu.dot_dimension_numbers<[1], [0], [0], [1], [0, 0, 1, 1], [], []>, transpose_lhs_hint = false} : vector<1024x24xf32>, vector<24x8xf32>, vector<1024x8xf32> -> vector<1024x8xf32>
    %swap3A = arith.constant 0 : index
    %swap3A_16 = arith.constant 0 : index
    %swap3A_17 = vector.load %arg5[%swap3A, %swap3A_16] : memref<1024x8xf32, #tpu.memory_space<vmem>>, vector<1024x8xf32>
    tpu.vector_store %arg5[%swap3A, %swap3A_16], %dot_general3A_15 {strides = array<i32>} : memref<1024x8xf32, #tpu.memory_space<vmem>>, vector<1024x8xf32>,
    return
  }
  func.func @transform_0(%arg0: i32) -> (i32, i32) {
    %c0_i32 = arith.constant 0 : i32
    %c0_i32_0 = arith.constant 0 : i32
    return %arg0, %c0_i32 : i32, i32
  }
  func.func @transform_1(%arg0: i32) -> (i32, i32) {
    %c0_i32 = arith.constant 0 : i32
    %c0_i32_0 = arith.constant 0 : i32
    return %arg0, %c0_i32 : i32, i32
  }
  func.func @transform_2(%arg0: i32) -> (i32, i32) {
    %c0_i32 = arith.constant 0 : i32
    %c0_i32_0 = arith.constant 0 : i32
    %c0_i32_1 = arith.constant 0 : i32
    return %c0_i32, %c0_i32_0 : i32, i32
  }
  func.func @transform_3(%arg0: i32) -> (i32, i32) {
    %c0_i32 = arith.constant 0 : i32
    %c0_i32_0 = arith.constant 0 : i32
    %c0_i32_1 = arith.constant 0 : i32
    return %c0_i32, %c0_i32_0 : i32, i32
  }
  func.func @transform_4(%arg0: i32) -> (i32, i32) {
    %c0_i32 = arith.constant 0 : i32
    %c0_i32_0 = arith.constant 0 : i32
    return %arg0, %c0_i32 : i32, i32
  }
}

module attributes {stable_mosaic.version = 14 : i64} {
  func.func @_final_body(%arg0: i32, %arg1: memref<1024x8xf32, #tpu.memory_space<vmem>>, %arg2: memref<1024x8xf32, #tpu.memory_space<vmem>>, %arg3: memref<1x8xf32, #tpu.memory_space<vmem>>, %arg4: memref<1024x7xf32, #tpu.memory_space<vmem>>) attributes {dimension_semantics = [#tpu.dimension_semantics<arbitrary>], iteration_bounds = array<i64: 10>, scalar_prefetch = 0 : i64, scratch_operands = 0 : i64, tpu.core_type = #tpu.core_type<tc>, window_params = [{transform_indices = @transform_0, window_bounds = array<i64: 1024, 8>}, {transform_indices = @transform_1, window_bounds = array<i64: 1024, 8>}, {pipeline_mode = #tpu.pipeline_mode<synchronous>, transform_indices = @transform_2, window_bounds = array<i64: 1, 8>}, {transform_indices = @transform_3, window_bounds = array<i64: 1024, 7>}]} {
    %get3A = arith.constant 0 : index
    %get3A_0 = arith.constant 0 : index
    %get3A_1 = vector.load %arg1[%get3A, %get3A_0] : memref<1024x8xf32, #tpu.memory_space<vmem>>, vector<1024x8xf32>
    %get3A_2 = arith.constant 0 : index
    %get3A_3 = arith.constant 0 : index
    %get3A_4 = vector.load %arg2[%get3A_2, %get3A_3] : memref<1024x8xf32, #tpu.memory_space<vmem>>, vector<1024x8xf32>
    %add3A = arith.addf %get3A_1, %get3A_4 : vector<1024x8xf32>
    %get3A_5 = arith.constant 0 : index
    %get3A_6 = arith.constant 0 : index
    %get3A_7 = vector.load %arg3[%get3A_5, %get3A_6] : memref<1x8xf32, #tpu.memory_space<vmem>>, vector<1x8xf32>
    %add3A_8 = vector.broadcast %get3A_7 : vector<1x8xf32> to vector<1024x8xf32>
    %add3A_9 = arith.addf %add3A, %add3A_8 : vector<1024x8xf32>
    %slice3A = vector.extract_strided_slice %add3A_9 {offsets = [0, 0], sizes = [1024, 7], strides = [1, 1]} : vector<1024x8xf32> to vector<1024x7xf32>
    %swap3A = arith.constant 0 : index
    %swap3A_10 = arith.constant 0 : index
    %swap3A_11 = vector.load %arg4[%swap3A, %swap3A_10] : memref<1024x7xf32, #tpu.memory_space<vmem>>, vector<1024x7xf32>
    tpu.vector_store %arg4[%swap3A, %swap3A_10], %slice3A {strides = array<i32>} : memref<1024x7xf32, #tpu.memory_space<vmem>>, vector<1024x7xf32>,
    return
  }
  func.func @transform_0(%arg0: i32) -> (i32, i32) {
    %c0_i32 = arith.constant 0 : i32
    %c0_i32_0 = arith.constant 0 : i32
    return %arg0, %c0_i32 : i32, i32
  }
  func.func @transform_1(%arg0: i32) -> (i32, i32) {
    %c0_i32 = arith.constant 0 : i32
    %c0_i32_0 = arith.constant 0 : i32
    return %arg0, %c0_i32 : i32, i32
  }
  func.func @transform_2(%arg0: i32) -> (i32, i32) {
    %c0_i32 = arith.constant 0 : i32
    %c0_i32_0 = arith.constant 0 : i32
    %c0_i32_1 = arith.constant 0 : i32
    return %c0_i32, %c0_i32_0 : i32, i32
  }
  func.func @transform_3(%arg0: i32) -> (i32, i32) {
    %c0_i32 = arith.constant 0 : i32
    %c0_i32_0 = arith.constant 0 : i32
    return %arg0, %c0_i32 : i32, i32
  }
}

</mosaic_0001>

<sc_bundles>
// kernel: kernel.10.cloned.1.call-start
scs
__scs_entry_jumppad:
0x0: {  	(pc) =	sbr.rel $0x88, $3  }
0x1: {  	(tag) =	ssettag $0x0;
	lr =	simm.s32 $0x1  }
0x2: {  	[smem:$0x3F9B] =	sst lr;
	_ =	strace $0xD0000000  }
0x3: {  	_ = 	snop  }
0x4: {  	_ = 	snop  }
0x5: {  	_ = 	snop  }
0x6: {  	_ = 	snop  }
0x7: {  	_ = 	snop  }
__scs_overlays_trampoline_lowered:
0x8: {  	[smem:$0x3FAA] =	sst s0  }
0x9: {  	[smem:$0x3FAB] =	sst s1  }
0xa: {  	[smem:$0x3FAC] =	sst s2  }
0xb: {  	[smem:$0x3FAD] =	sst s3  }
0xc: {  	[smem:$0x3FAE] =	sst s4  }
0xd: {  	[smem:$0x3FAF] =	sst s5  }
0xe: {  	[smem:$0x3FB0] =	sst s6  }
0xf: {  	[smem:$0x3FB1] =	sst s7  }
0x10: {  	[smem:$0x3FB2] =	sst s8  }
0x11: {  	[smem:$0x3FB3] =	sst s9;
	s0 =	simm.s32 @!p0 $0x0  }
0x12: {  	s1 =	sld [smem:$0x3F99];
	s0 =	simm.s32 @p0 $0x1  }
0x13: {  	[smem:$0x3FB4] =	sst s0;
	s0 =	simm.s32 @!p1 $0x0  }
0x14: {  	s2 =	sld [smem:$0x3F98];
	s0 =	simm.s32 @p1 $0x1  }
0x15: {  	[smem:$0x3FB5] =	sst s0;
	s0 =	simm.s32 @!p2 $0x0  }
0x16: {  	s3 =	sld [smem:$0x3FDB];
	s0 =	simm.s32 @p2 $0x1  }
0x17: {  	s4 =	simm.s32 $0x1BF5;
	[smem:$0x3FB7] =	sst s0  }
0x18: {  	s0 =	sld [smem:$0x3F9A];
	_ =	swait.ge [sflag:s4], $0x0  }
0x19: {  	s7 =	sld [smem:$0x3F9B]  }
0x1a: {  	s8 =	sadd.s32 $0xFFFFE003, lr  }
0x1b: {  	s9 =	sadd.s32 $0xFFFFFEF7, lr;
	s5 =	simm.s32 $0xFFFFFFFF;
	p2 =	slt.u32 s8, $0xFFFFF086  }
0x1c: {  	p1 =	slt.u32 s9, $0xF7A;
	s5 =	simm.s32 @!p2 $0x0  }
0x1d: {  	s5 =	simm.s32 @p1 $0x1;
	p0 =	seq.s32 s7, s2  }
0x1e: {  	s7 =	smul.u32 @!p0 $0xF7A, s2;
	p2 =	seq.s32 @!p0 s5, $0x0  }
0x1f: {  	s9 =	smul.u32 $0xF7A, s1;
	s8 =	simm.s32 @!p0 $0x1BF5;
	p2 =	por !p2, p0  }
0x20: {  	[sflag:s8] =	ssyncset.s32 @!p0 $0xFFFFF086;
	s6 =	sadd.s32 @!p0 s3, s7;
	s7 =	simm.s32 @!p0 $0x108  }
0x21: {  	s3 =	sadd.s32 s3, s9;
	s6 =	sadd.s32 @!p0 $0x88, s6;
	s7 =	simm.s32 @p2 $0x1082  }
0x22: {  	[simem:s7], [sflag:s8] =	dma.local @!p0 [hbm:s6], $0xF7A  }
0x23: {  	s9 =	sor.u32 $0xD0000000, s2;
	s6 =	simm.s32 $0x108;
	_ =	swait.ge @!p0 [sflag:s8], $0x0  }
0x24: {  	s3 =	sadd.s32 $0x88, s3;
	s6 =	simm.s32 @!p1 $0x1082;
	[sflag:s4] =	ssyncset.s32 $0xFFFFF086  }
0x25: {  	[simem:s6], [sflag:s4] =	dma.local [hbm:s3], $0xF7A  }
0x26: {  	[smem:$0x3F9B] =	sst s1;
	(tag) =	ssettag s2;
	_ =	strace s9  }
0x27: {  	s1 =	sld [smem:$0x3FAB]  }
0x28: {  	s2 =	sld [smem:$0x3FAC]  }
0x29: {  	s4 =	sld [smem:$0x3FAE]  }
0x2a: {  	p0 =	seq.s32 s5, $0x0;
	s5 =	sld [smem:$0x3FAF]  }
0x2b: {  	s6 =	sld [smem:$0x3FB0]  }
0x2c: {  	s7 =	sld [smem:$0x3FB1]  }
0x2d: {  	s3 =	simm.s32 $0x108;
	s8 =	sld [smem:$0x3FB2]  }
0x2e: {  	s3 =	simm.s32 @!p0 $0x1082;
	s9 =	sld [smem:$0x3FB3]  }
0x2f: {  	lr =	sadd.s32 s0, s3;
	s0 =	sld [smem:$0x3FAA]  }
0x30: {  	s3 =	sld [smem:$0x3FAD]  }
0x31: {  	[smem:$0x3FB6] =	sst s10  }
0x32: {  	s10 =	sld [smem:$0x3FB4];
	_ =	sdelay $0x3  }
0x33: {  	p0 =	seq.s32 s10, $0x1;
	s10 =	sld [smem:$0x3FB6];
	_ =	sdelay $0x3  }
0x34: {  	[smem:$0x3FB6] =	sst s10  }
0x35: {  	s10 =	sld [smem:$0x3FB5];
	_ =	sdelay $0x3  }
0x36: {  	p1 =	seq.s32 s10, $0x1;
	s10 =	sld [smem:$0x3FB6];
	_ =	sdelay $0x3  }
0x37: {  	[smem:$0x3FB6] =	sst s10  }
0x38: {  	s10 =	sld [smem:$0x3FB7]  }
0x39: {  	_ = 	snop;
	(pc) =	sbr.ind lr, $3  }
0x3a: {  	_ = 	snop  }
0x3b: {  	_ = 	snop  }
0x3c: {  	p2 =	seq.s32 s10, $0x1;
	s10 =	sld [smem:$0x3FB6]  }
0x3d: {  	_ =	shalt  }
0x3e: {  	_ =	shalt  }
0x3f: {  	_ =	shalt  }
0x40: {  	_ =	shalt  }
0x41: {  	_ =	shalt  }
0x42: {  	_ =	shalt  }
0x43: {  	_ =	shalt  }
0x44: {  	_ =	shalt  }
0x45: {  	_ =	shalt  }
0x46: {  	_ =	shalt  }
0x47: {  	_ =	shalt  }
0x48: {  	_ =	shalt  }
0x49: {  	_ =	shalt  }
0x4a: {  	_ =	shalt  }
0x4b: {  	_ =	shalt  }
0x4c: {  	_ =	shalt  }
0x4d: {  	_ =	shalt  }
0x4e: {  	_ =	shalt  }
0x4f: {  	_ =	shalt  }
0x50: {  	_ =	shalt  }
0x51: {  	_ =	shalt  }
0x52: {  	_ =	shalt  }
0x53: {  	_ =	shalt  }
0x54: {  	_ =	shalt  }
0x55: {  	_ =	shalt  }
0x56: {  	_ =	shalt  }
0x57: {  	_ =	shalt  }
0x58: {  	_ =	shalt  }
0x59: {  	_ =	shalt  }
0x5a: {  	_ =	shalt  }
0x5b: {  	_ =	shalt  }
0x5c: {  	_ =	shalt  }
0x5d: {  	_ =	shalt  }
0x5e: {  	_ =	shalt  }
0x5f: {  	_ =	shalt  }
0x60: {  	_ =	shalt  }
0x61: {  	_ =	shalt  }
0x62: {  	_ =	shalt  }
0x63: {  	_ =	shalt  }
0x64: {  	_ =	shalt  }
0x65: {  	_ =	shalt  }
0x66: {  	_ =	shalt  }
0x67: {  	_ =	shalt  }
0x68: {  	_ =	shalt  }
0x69: {  	_ =	shalt  }
0x6a: {  	_ =	shalt  }
0x6b: {  	_ =	shalt  }
0x6c: {  	_ =	shalt  }
0x6d: {  	_ =	shalt  }
0x6e: {  	_ =	shalt  }
0x6f: {  	_ =	shalt  }
0x70: {  	_ =	shalt  }
0x71: {  	_ =	shalt  }
0x72: {  	_ =	shalt  }
0x73: {  	_ =	shalt  }
0x74: {  	_ =	shalt  }
0x75: {  	_ =	shalt  }
0x76: {  	_ =	shalt  }
0x77: {  	_ =	shalt  }
0x78: {  	_ =	shalt  }
0x79: {  	_ =	shalt  }
0x7a: {  	_ =	shalt  }
0x7b: {  	_ =	shalt  }
0x7c: {  	_ =	shalt  }
0x7d: {  	_ =	shalt  }
0x7e: {  	_ =	shalt  }
0x7f: {  	_ =	shalt  }
0x80: {  	_ =	shalt  }
0x81: {  	_ =	shalt  }
0x82: {  	_ =	shalt  }
0x83: {  	_ =	shalt  }
0x84: {  	_ =	shalt  }
0x85: {  	_ =	shalt  }
0x86: {  	_ =	shalt  }
0x87: {  	_ =	shalt  }
.Lfunc_end0:
.L_simem_size_0:
called_computation.1_lowered:
.L_overlay_start_0:
0x88: {  	s2 =	sld [smem:$0x3FD9]  }
0x89: {  	s3 =	sld [smem:$0x3FFE];
	_ =	sdelay $0x1  }
0x8a: {  	s1 =	srdreg.scid  }
0x8b: {  	s0 =	sand.u32 $0x1, s1  }
0x8c: {  	s16 =	sshll.u32 s0, $0xA;
	s2 =	sadd.s32 s3, s2  }
0x8d: {  	s2 =	sadd.s32 s2, s16  }
0x8e: {  	[smem:$0x3FC2] =	sst s2  }
0x8f: {  	_ = 	snop  }
0x90: {  	(tm) =	ssettm $0x1  }
0x91: {  	s17 =	sld [smem:$0x3FFB];
	_ =	sdelay $0x3  }
0x92: {  	_ =	strace s17  }
0x93: {  	s2 =	sld [smem:$0x3FFC];
	_ =	sdelay $0x3  }
0x94: {  	_ =	strace s2  }
0x95: {  	s2 =	sld [smem:$0x3FFD];
	_ =	sdelay $0x3  }
0x96: {  	_ =	strace s2  }
0x97: {  	_ =	strace $0x8FFFFFFF  }
0x98: {  	s18 =	sld [smem:$0x3FDB];
	_ =	sdelay $0x1  }
0x99: {  	s19 =	simm.s32 $_scs_section_size  }
0x9a: {  	s4 =	simm.s32 $_size__tile_overlayer_lowered;
	s5 =	simm.s32 $_tile_overlayer_lowered  }
0x9b: {  	s22 =	simm.s32 $0x1BFF;
	s21 =	sshll.u32 s5, $0x1;
	s2 =	sadd.s32 s19, s18  }
0x9c: {  	s6 =	simm.s32 $0x0;
	s20 =	sshll.u32 s4, $0x1;
	s4 =	sadd.s32 s21, s2  }
0x9d: {  	[timem:s6], [sflag:s22] =	dma.local [hbm:s4], s20  }
0x9e: {  	_ =	swait.ge [sflag:s22], s20  }
0x9f: {  	s3 =	ssub.s32 $0x0, s20;
	[sflag:s22] =	ssyncset.done $0x0  }
0xa0: {  	[sflag:s22] =	ssyncadd.s32 s3;
	_ =	sdelay $0x1  }
0xa1: {  	s23 =	simm.s32 $0x1B8B  }
0xa2: {  	_ =	swait.ge [sflag:s23], $0x1  }
0xa3: {  	[sflag:s23] =	ssyncset.done $0x0  }
0xa4: {  	s25 =	simm.s32 $0x1B8E;
	s24 =	sld [smem:$0x3FFE];
	[sflag:s23] =	ssyncadd.s32 $0xFFFFFFFF  }
0xa5: {  	s26 =	simm.s32 $execute0_lowered;
	[smem:$0x3FD2] =	sst s25  }
0xa6: {  	s4 =	sshll.u32 s26, $0x1;
	_ =	strace $0x80000049;
	[dreg:$0x1] =	wrdreg $0xFFFFFFFF  }
0xa7: {  	s28 =	simm.s32 $_size_execute0_lowered;
	s2 =	sadd.s32 s2, s4;
	[dreg:$0x0] =	wrdreg $0x0  }
0xa8: {  	s4 =	sshll.u32 s28, $0x1;
	[dreg:$0x2] =	wrdreg s2  }
0xa9: {  	[dreg:$0x3] =	wrdreg s4  }
0xaa: {  	[dreg:$0x4] =	wrdreg $0xC0  }
0xab: {  	_ =	task [dreg:s6], $0x5FFFF  }
0xac: {  	[dreg:$0x1] =	wrdreg $0xFFFFFFFF  }
0xad: {  	[dreg:$0x0] =	wrdreg $0x60  }
0xae: {  	[dreg:$0x2] =	wrdreg s24  }
0xaf: {  	[dreg:$0x3] =	wrdreg $0x5AA00  }
0xb0: {  	[dreg:$0x4] =	wrdreg $0x6EA00  }
0xb1: {  	[dreg:$0x5] =	wrdreg $0x9  }
0xb2: {  	_ =	task.clear_ibuf [dreg:s6], $0x6FFFF;
	_ =	strace $0x90000049  }
0xb3: {  	s29 =	simm.s32 $0x9;
	_ =	strace $0x8000004B  }
0xb4: {  	_ =	swait.ge [sflag:s29], $0x1  }
0xb5: {  	[sflag:s29] =	ssyncadd.s32 $0xFFFFFFFF  }
0xb6: {  	_ =	strace $0x9000004B  }
0xb7: {  	_ =	sfence  }
0xb8: {  	s30 =	sld [smem:$0x0];
	_ =	sdelay $0x2  }
0xb9: {  	s31 =	sshll.u32 s1, $0xD;
	s1 =	sshrl.u32 s1, $0x2  }
0xba: {  	s3 =	sand.u32 $0x4000, s31;
	s1 =	sadd.s32 s1, s30  }
0xbb: {  	s0 =	sor.u32 s3, s0;
	s1 =	sshll.u32 s1, $0x11  }
0xbc: {  	s0 =	sor.u32 s1, s0  }
0xbd: {  	s0 =	sadd.s32 $0x8F2B, s0  }
0xbe: {  	[sflag:s0] =	ssyncadd.remote.s32 $0x1  }
0xbf: {  	_ =	sfence.sel $0xFFFF  }
0xc0: {  	[dreg:$0x0] =	wrdreg $0xFFFFFFFF;
	(pc) =	sbr.abs _section_cstart, $3  }
0xc1: {  	[dreg:$0x1] =	wrdreg $0xFFFFFFFF  }
0xc2: {  	_ =	task.clear_ibuf [dreg:s6], $0x2FFFF;
	_ =	strace $0x9FFFFFFF  }
0xc3: {  	(tm) =	ssettm $0x7FFFFFFF  }
tec
execute0_lowered:
.L_overlay_start_1:
0x0: {  	(tag) =	ssettag $0x1  }
0x1: {  	s0 =	rddreg [dreg:$0x0]  }
0x2: {  	s2 =	rddreg [dreg:$0x1]  }
0x3: {  	s3 =	rddreg [dreg:$0x2];
	s11 =	stileid.u32  }
0x4: {  	s1 =	srdreg.scid;
	s4 =	simm.s32 $0x0;
	s13 =	simm.s32 $0xB  }
0x5: {  	s16 =	simm.s32 $0x50;
	s17 =	simm.s32 $0x4E20;
	s18 =	simm.s32 $0x50A0  }
0x6: {  	s20 =	simm.s32 $0x5320;
	s22 =	simm.s32 $0x55A0;
	s28 =	simm.s32 $0x3  }
0x7: {  	s29 =	simm.s32 $0x4;
	s30 =	simm.s32 $0x5;
	s31 =	simm.s32 $0x6  }
0x8: {  	s14 =	simm.s32 $0x9;
	s19 =	simm.s32 $0xA;
	s5 =	smul.u32 $0x1400, s11  }
0x9: {  	s1 =	sand.u32 $0x1, s1;
	[smem:$0x7FF] =	sst s4;
	s6 =	sshll.u32 s11, $0x1  }
0xa: {  	s25 =	sshll.u32 s11, $0x6;
	s7 =	smul.u32 $0x14000, s1;
	_ =	strace $0x8000004A  }
0xb: {  	s6 =	sor.u32 s1, s6;
	s1 =	ssub.s32 $0x2, s1;
	s8 =	sshrl.u32 s5, $0x3  }
0xc: {  	s6 =	smul.u32 $0x4E2, s6;
	s23 =	sshrl.u32 s1, $0x1;
	s12 =	sadd.s32 s5, s2  }
0xd: {  	s7 =	sadd.s32 s5, s7;
	s9 =	sadd.s32 s8, s0;
	s1 =	ssub.s32 s1, s23  }
0xe: {  	s5 =	sadd.s32 s5, s3;
	s12 =	sshrl.u32 s12, $0x3;
	s23 =	simm.s32 $0x0  }
0xf: {  	s7 =	sshrl.u32 s7, $0x3;
	s10 =	sadd.s32 s6, s0;
	s24 =	sadd.s32 $0x16A00, s9  }
0x10: {  	s6 =	sor.u32 $0x1C0B, s25;
	s9 =	sadd.s32 $0x14200, s9;
	s11 =	smax.u32 s1, $0x1  }
0x11: {  	s15 =	sshrl.u32 s5, $0x3;
	s25 =	simm.s32 $0x1;
	s1 =	simm.s32 $0x8  }
0x12: {  	s0 =	sadd.s32 s7, s0;
	[dreg:$0x4] =	wrdreg s24;
	s26 =	sadd.s32 $0xA400, s10  }
0x13: {  	s8 =	sadd.s32 $0x600, s10;
	s24 =	simm.s32 $0x5820;
	[dreg:$0x5] =	wrdreg s26  }
0x14: {  	s10 =	sadd.s32 $0x19200, s0;
	s26 =	simm.s32 $0x2;
	s0 =	simm.s32 $0x7  }
.LBB2_1:
0x15: {  	s5 =	rddreg [dreg:$0x4]  }
0x16: {  	[spmem:s12], [sflag:s6] =	dma.local [hbm:s5], $0x280  }
0x17: {  	_ =	swait.ge [sflag:s13], $0x280  }
0x18: {  	[sflag:s13] =	ssyncset.done $0x0  }
0x19: {  	s7 =	rddreg [dreg:$0x5];
	[sflag:s13] =	ssyncadd.s32 $0xFFFFFD80  }
0x1a: {  	[tilespmem:s4], [sflag:$0xB] =	stream.linear.gather [hbm4b:s7+s4], $0x2710, $0x38;
	[tilespmem:$0x82A0] =	vst v63  }
0x1b: {  	_ =	swait.ge [sflag:s13], $0x2710  }
0x1c: {  	[sflag:s13] =	ssyncset.done $0x0  }
0x1d: {  	s21 =	simm.s32 $0x2710;
	[sflag:s13] =	ssyncadd.s32 $0xFFFFD8F0  }
0x1e: {  	[tilespmem:s21], [sflag:$0xB] =	stream.linear.gather [hbm4b:s8+s4], $0x2710, $0x38;
	[tilespmem:$0x82A0] =	vst v63  }
0x1f: {  	_ =	swait.ge [sflag:s13], $0x2710  }
0x20: {  	[sflag:s13] =	ssyncset.done $0x0  }
0x21: {  	[sflag:s13] =	ssyncadd.s32 $0xFFFFD8F0  }
0x22: {  	[spmem:s15], [sflag:s6] =	dma.local [hbm:s9], $0x280  }
0x23: {  	_ =	swait.ge [sflag:s13], $0x280  }
0x24: {  	[sflag:s13] =	ssyncset.done $0x0  }
0x25: {  	[sflag:s13] =	ssyncadd.s32 $0xFFFFFD80  }
0x26: {  	[bflag:$0x0] =	sbarrier.arrive $0xFFFF  }
0x27: {  	[tilespmem:s17], [sflag:$0x1] =	stream.indirect.gather [spmem:s3], $0x8, s4, s16, $0xb8;
	[tilespmem:$0x82A0] =	vst v63  }
0x28: {  	_ = 	snop  }
0x29: {  	[tilespmem:s18], [sflag:$0x2] =	stream.indirect.gather [spmem:s3], $0x8, s16, s16, $0xb8;
	[tilespmem:$0x82A0] =	vst v63  }
0x2a: {  	s7 =	simm.s32 $0xA0  }
0x2b: {  	[tilespmem:s20], [sflag:$0x3] =	stream.indirect.gather [spmem:s3], $0x8, s7, s16, $0xb8;
	[tilespmem:$0x82A0] =	vst v63  }
0x2c: {  	s21 =	simm.s32 $0xF0  }
0x2d: {  	[tilespmem:s22], [sflag:$0x4] =	stream.indirect.gather [spmem:s3], $0x8, s21, s16, $0xb8;
	[tilespmem:$0x82A0] =	vst v63  }
0x2e: {  	s7 =	simm.s32 $0x140  }
0x2f: {  	[tilespmem:s24], [sflag:$0x5] =	stream.indirect.gather [spmem:s3], $0x8, s7, s16, $0xb8;
	[tilespmem:$0x82A0] =	vst v63  }
0x30: {  	_ =	swait.ge [sflag:s25], $0x280  }
0x31: {  	[sflag:s25] =	ssyncset.done $0x0  }
0x32: {  	s21 =	simm.s32 $0x2710;
	[sflag:s25] =	ssyncadd.s32 $0xFFFFFD80  }
0x33: {  	[spmem:s2] =	stream.indirect.scatter.add.f32 [tilespmem:s17], [sflag:$0x6], $0x8, s21, s16, $0xb8;
	[tilespmem:$0x82A0] =	vst v63  }
0x34: {  	_ =	swait.ge [sflag:s26], $0x280  }
0x35: {  	[sflag:s26] =	ssyncset.done $0x0  }
0x36: {  	s7 =	simm.s32 $0x2760;
	[sflag:s26] =	ssyncadd.s32 $0xFFFFFD80  }
0x37: {  	[spmem:s2] =	stream.indirect.scatter.add.f32 [tilespmem:s18], [sflag:$0x7], $0x8, s7, s16, $0xb8;
	[tilespmem:$0x82A0] =	vst v63  }
0x38: {  	_ =	swait.ge [sflag:s28], $0x280  }
0x39: {  	[sflag:s28] =	ssyncset.done $0x0  }
0x3a: {  	s21 =	simm.s32 $0x27B0;
	[sflag:s28] =	ssyncadd.s32 $0xFFFFFD80  }
0x3b: {  	[spmem:s2] =	stream.indirect.scatter.add.f32 [tilespmem:s20], [sflag:$0x8], $0x8, s21, s16, $0xb8;
	[tilespmem:$0x82A0] =	vst v63  }
0x3c: {  	_ =	swait.ge [sflag:s29], $0x280  }
0x3d: {  	[sflag:s29] =	ssyncset.done $0x0  }
0x3e: {  	s7 =	simm.s32 $0x2800;
	[sflag:s29] =	ssyncadd.s32 $0xFFFFFD80  }
0x3f: {  	[spmem:s2] =	stream.indirect.scatter.add.f32 [tilespmem:s22], [sflag:$0x9], $0x8, s7, s16, $0xb8;
	[tilespmem:$0x82A0] =	vst v63  }
0x40: {  	_ =	swait.ge [sflag:s30], $0x280  }
0x41: {  	[sflag:s30] =	ssyncset.done $0x0  }
0x42: {  	s21 =	simm.s32 $0x2850;
	[sflag:s30] =	ssyncadd.s32 $0xFFFFFD80  }
0x43: {  	[spmem:s2] =	stream.indirect.scatter.add.f32 [tilespmem:s24], [sflag:$0xA], $0x8, s21, s16, $0xb8;
	[tilespmem:$0x82A0] =	vst v63  }
0x44: {  	_ =	swait.ge [sflag:s31], $0x280  }
0x45: {  	[sflag:s31] =	ssyncset.done $0x0  }
0x46: {  	s7 =	simm.s32 $0x190;
	[sflag:s31] =	ssyncadd.s32 $0xFFFFFD80  }
0x47: {  	[tilespmem:s17], [sflag:$0x1] =	stream.indirect.gather [spmem:s3], $0x8, s7, s16, $0xb8;
	[tilespmem:$0x82A0] =	vst v63  }
0x48: {  	_ =	swait.ge [sflag:s0], $0x280  }
0x49: {  	[sflag:s0] =	ssyncset.done $0x0  }
0x4a: {  	s21 =	simm.s32 $0x1E0;
	[sflag:s0] =	ssyncadd.s32 $0xFFFFFD80  }
0x4b: {  	[tilespmem:s18], [sflag:$0x2] =	stream.indirect.gather [spmem:s3], $0x8, s21, s16, $0xb8;
	[tilespmem:$0x82A0] =	vst v63  }
0x4c: {  	_ =	swait.ge [sflag:s1], $0x280  }
0x4d: {  	[sflag:s1] =	ssyncset.done $0x0  }
0x4e: {  	s7 =	simm.s32 $0x230;
	[sflag:s1] =	ssyncadd.s32 $0xFFFFFD80  }
0x4f: {  	[tilespmem:s20], [sflag:$0x3] =	stream.indirect.gather [spmem:s3], $0x8, s7, s16, $0xb8;
	[tilespmem:$0x82A0] =	vst v63  }
0x50: {  	_ =	swait.ge [sflag:s14], $0x280  }
0x51: {  	[sflag:s14] =	ssyncset.done $0x0  }
0x52: {  	s21 =	simm.s32 $0x280;
	[sflag:s14] =	ssyncadd.s32 $0xFFFFFD80  }
0x53: {  	[tilespmem:s22], [sflag:$0x4] =	stream.indirect.gather [spmem:s3], $0x8, s21, s16, $0xb8;
	[tilespmem:$0x82A0] =	vst v63  }
0x54: {  	_ =	swait.ge [sflag:s19], $0x280  }
0x55: {  	[sflag:s19] =	ssyncset.done $0x0  }
0x56: {  	s5 =	simm.s32 $0x2D0;
	s21 =	simm.s32 $0x640;
	[sflag:s19] =	ssyncadd.s32 $0xFFFFFD80  }
.LBB2_2:
0x57: {  	[tilespmem:s24], [sflag:$0x5] =	stream.indirect.gather [spmem:s3], $0x8, s5, s16, $0xb8;
	[tilespmem:$0x82A0] =	vst v63  }
0x58: {  	s5 =	smov.u32 s21  }
0x59: {  	p0 =	sne.s32 s21, $0x8FC0;
	s21 =	sadd.s32 $0x640, s21;
	_ =	swait.ge [sflag:s25], $0x280  }
0x5a: {  	s5 =	sshra.s32 s5, $0x2;
	[sflag:s25] =	ssyncset.done $0x0  }
0x5b: {  	s7 =	sadd.s32 $0x2710, s5;
	[sflag:s25] =	ssyncadd.s32 $0xFFFFFD80  }
0x5c: {  	[spmem:s2] =	stream.indirect.scatter.add.f32 [tilespmem:s17], [sflag:$0x6], $0x8, s7, s16, $0xb8;
	[tilespmem:$0x82A0] =	vst v63  }
0x5d: {  	_ =	swait.ge [sflag:s26], $0x280  }
0x5e: {  	[sflag:s26] =	ssyncset.done $0x0  }
0x5f: {  	s7 =	sadd.s32 $0x2760, s5;
	[sflag:s26] =	ssyncadd.s32 $0xFFFFFD80  }
0x60: {  	[spmem:s2] =	stream.indirect.scatter.add.f32 [tilespmem:s18], [sflag:$0x7], $0x8, s7, s16, $0xb8;
	[tilespmem:$0x82A0] =	vst v63  }
0x61: {  	_ =	swait.ge [sflag:s28], $0x280  }
0x62: {  	[sflag:s28] =	ssyncset.done $0x0  }
0x63: {  	s7 =	sadd.s32 $0x27B0, s5;
	[sflag:s28] =	ssyncadd.s32 $0xFFFFFD80  }
0x64: {  	[spmem:s2] =	stream.indirect.scatter.add.f32 [tilespmem:s20], [sflag:$0x8], $0x8, s7, s16, $0xb8;
	[tilespmem:$0x82A0] =	vst v63  }
0x65: {  	_ =	swait.ge [sflag:s29], $0x280  }
0x66: {  	[sflag:s29] =	ssyncset.done $0x0  }
0x67: {  	s7 =	sadd.s32 $0x2800, s5;
	[sflag:s29] =	ssyncadd.s32 $0xFFFFFD80  }
0x68: {  	[spmem:s2] =	stream.indirect.scatter.add.f32 [tilespmem:s22], [sflag:$0x9], $0x8, s7, s16, $0xb8;
	[tilespmem:$0x82A0] =	vst v63  }
0x69: {  	_ =	swait.ge [sflag:s30], $0x280  }
0x6a: {  	[sflag:s30] =	ssyncset.done $0x0  }
0x6b: {  	s7 =	sadd.s32 $0x2850, s5;
	[sflag:s30] =	ssyncadd.s32 $0xFFFFFD80  }
0x6c: {  	[spmem:s2] =	stream.indirect.scatter.add.f32 [tilespmem:s24], [sflag:$0xA], $0x8, s7, s16, $0xb8;
	[tilespmem:$0x82A0] =	vst v63  }
0x6d: {  	_ =	swait.ge [sflag:s31], $0x280  }
0x6e: {  	[sflag:s31] =	ssyncset.done $0x0  }
0x6f: {  	s7 =	sadd.s32 $0x190, s5;
	[sflag:s31] =	ssyncadd.s32 $0xFFFFFD80  }
0x70: {  	[tilespmem:s17], [sflag:$0x1] =	stream.indirect.gather [spmem:s3], $0x8, s7, s16, $0xb8;
	[tilespmem:$0x82A0] =	vst v63  }
0x71: {  	_ =	swait.ge [sflag:s0], $0x280  }
0x72: {  	[sflag:s0] =	ssyncset.done $0x0  }
0x73: {  	s7 =	sadd.s32 $0x1E0, s5;
	[sflag:s0] =	ssyncadd.s32 $0xFFFFFD80  }
0x74: {  	[tilespmem:s18], [sflag:$0x2] =	stream.indirect.gather [spmem:s3], $0x8, s7, s16, $0xb8;
	[tilespmem:$0x82A0] =	vst v63  }
0x75: {  	_ =	swait.ge [sflag:s1], $0x280  }
0x76: {  	[sflag:s1] =	ssyncset.done $0x0  }
0x77: {  	s7 =	sadd.s32 $0x230, s5;
	[sflag:s1] =	ssyncadd.s32 $0xFFFFFD80  }
0x78: {  	[tilespmem:s20], [sflag:$0x3] =	stream.indirect.gather [spmem:s3], $0x8, s7, s16, $0xb8;
	[tilespmem:$0x82A0] =	vst v63  }
0x79: {  	_ =	swait.ge [sflag:s14], $0x280  }
0x7a: {  	[sflag:s14] =	ssyncset.done $0x0  }
.Ltmp0:
0x7b: {  	s7 =	sadd.s32 $0x280, s5;
	[sflag:s14] =	ssyncadd.s32 $0xFFFFFD80;
	(pc) =	sbr.rel @p0 .LBB2_2-.Ltmp0, $4  }
0x7c: {  	[tilespmem:s22], [sflag:$0x4] =	stream.indirect.gather [spmem:s3], $0x8, s7, s16, $0xb8;
	[tilespmem:$0x82A0] =	vst v63  }
0x7d: {  	_ =	swait.ge [sflag:s19], $0x280  }
0x7e: {  	[sflag:s19] =	ssyncset.done $0x0  }
0x7f: {  	s5 =	sadd.s32 $0x2D0, s5;
	[sflag:s19] =	ssyncadd.s32 $0xFFFFFD80  }
0x80: {  	[tilespmem:s24], [sflag:$0x5] =	stream.indirect.gather [spmem:s3], $0x8, s5, s16, $0xb8;
	[tilespmem:$0x82A0] =	vst v63  }
0x81: {  	_ =	swait.ge [sflag:s25], $0x280  }
0x82: {  	[sflag:s25] =	ssyncset.done $0x0  }
0x83: {  	s21 =	simm.s32 $0x4C90;
	[sflag:s25] =	ssyncadd.s32 $0xFFFFFD80  }
0x84: {  	[spmem:s2] =	stream.indirect.scatter.add.f32 [tilespmem:s17], [sflag:$0x6], $0x8, s21, s16, $0xb8;
	[tilespmem:$0x82A0] =	vst v63  }
0x85: {  	_ =	swait.ge [sflag:s26], $0x280  }
0x86: {  	[sflag:s26] =	ssyncset.done $0x0  }
0x87: {  	s7 =	simm.s32 $0x4CE0;
	[sflag:s26] =	ssyncadd.s32 $0xFFFFFD80  }
0x88: {  	[spmem:s2] =	stream.indirect.scatter.add.f32 [tilespmem:s18], [sflag:$0x7], $0x8, s7, s16, $0xb8;
	[tilespmem:$0x82A0] =	vst v63  }
0x89: {  	_ =	swait.ge [sflag:s28], $0x280  }
0x8a: {  	[sflag:s28] =	ssyncset.done $0x0  }
0x8b: {  	s21 =	simm.s32 $0x4D30;
	[sflag:s28] =	ssyncadd.s32 $0xFFFFFD80  }
0x8c: {  	[spmem:s2] =	stream.indirect.scatter.add.f32 [tilespmem:s20], [sflag:$0x8], $0x8, s21, s16, $0xb8;
	[tilespmem:$0x82A0] =	vst v63  }
0x8d: {  	_ =	swait.ge [sflag:s29], $0x280  }
0x8e: {  	[sflag:s29] =	ssyncset.done $0x0  }
0x8f: {  	s7 =	simm.s32 $0x4D80;
	[sflag:s29] =	ssyncadd.s32 $0xFFFFFD80  }
0x90: {  	[spmem:s2] =	stream.indirect.scatter.add.f32 [tilespmem:s22], [sflag:$0x9], $0x8, s7, s16, $0xb8;
	[tilespmem:$0x82A0] =	vst v63  }
0x91: {  	_ =	swait.ge [sflag:s30], $0x280  }
0x92: {  	[sflag:s30] =	ssyncset.done $0x0  }
0x93: {  	s21 =	simm.s32 $0x4DD0;
	[sflag:s30] =	ssyncadd.s32 $0xFFFFFD80  }
0x94: {  	[spmem:s2] =	stream.indirect.scatter.add.f32 [tilespmem:s24], [sflag:$0xA], $0x8, s21, s16, $0xb8;
	[tilespmem:$0x82A0] =	vst v63  }
0x95: {  	_ =	swait.ge [sflag:s31], $0x280  }
0x96: {  	[sflag:s31] =	ssyncset.done $0x0  }
0x97: {  	[sflag:s31] =	ssyncadd.s32 $0xFFFFFD80  }
0x98: {  	_ =	swait.ge [sflag:s0], $0x280  }
0x99: {  	[sflag:s0] =	ssyncset.done $0x0  }
0x9a: {  	[sflag:s0] =	ssyncadd.s32 $0xFFFFFD80  }
0x9b: {  	_ =	swait.ge [sflag:s1], $0x280  }
0x9c: {  	[sflag:s1] =	ssyncset.done $0x0  }
0x9d: {  	[sflag:s1] =	ssyncadd.s32 $0xFFFFFD80  }
0x9e: {  	_ =	swait.ge [sflag:s14], $0x280  }
0x9f: {  	[sflag:s14] =	ssyncset.done $0x0  }
0xa0: {  	[sflag:s14] =	ssyncadd.s32 $0xFFFFFD80  }
0xa1: {  	_ =	swait.ge [sflag:s19], $0x280  }
0xa2: {  	s23 =	sadd.s32 $0x1, s23;
	[sflag:s19] =	ssyncset.done $0x0  }
0xa3: {  	p0 =	sne.s32 s23, s11;
	[sflag:s19] =	ssyncadd.s32 $0xFFFFFD80  }
.Ltmp1:
0xa4: {  	[bflag:$0x0] =	sbarrier.arrive $0xFFFF;
	(pc) =	sbr.rel @p0 .LBB2_1-.Ltmp1, $4  }
0xa5: {  	[hbm:s10], [sflag:s6] =	dma.local [spmem:s12], $0x280  }
0xa6: {  	_ =	swait.ge [sflag:s13], $0x280  }
0xa7: {  	[sflag:s13] =	ssyncset.done $0x0  }
0xa8: {  	[sflag:s13] =	ssyncadd.s32 $0xFFFFFD80  }
0xa9: {  	_ =	sfence.sel $0x180000  }
0xaa: {  	[bflag:$0x0] =	sbarrier.arrive $0xFFFF  }
0xab: {  	_ =	strace $0x9000004A  }
0xac: {  	s0 =	stileid.u32;
	[bflag:$0x2] =	sbarrier.arrive $0xFFFF  }
0xad: {  	p0 =	sne.s32 s0, $0x0;
	s0 =	rddreg [dreg:$0x3]  }
0xae: {  	s0 =	sadd.s32 @!p0 $0x100000, s0  }
0xaf: {  	[sflag:s0] =	ssyncadd.tile.s32 @!p0 $0x1;
	_ =	shalt  }
.Lfunc_end2:
_tile_overlayer_lowered:
.L_overlay_start_2:
0xb0: {  	(tag) =	ssettag $0x2  }
0xb1: {  	s0 =	rddreg [dreg:$0x0];
	s2 =	stileid.u32  }
0xb2: {  	s1 =	rddreg [dreg:$0x1];
	p0 =	sne.s32 s2, $0x0  }
0xb3: {  	s3 =	rddreg [dreg:$0x2];
	[bflag:$0x3] =	sbarrier.arrive $0xFFFF;
	s2 =	simm.s32 @!p0 $0x1C0B  }
0xb4: {  	[timem:s3], [sflag:s2] =	dma.local @!p0 [hbm:s0], s1  }
0xb5: {  	s0 =	simm.s32 @!p0 $0xB  }
0xb6: {  	_ =	swait.ge @!p0 [sflag:s0], s1  }
0xb7: {  	s1 =	ssub.s32 @!p0 $0x0, s1;
	[sflag:s0] =	ssyncset.done @!p0 $0x0  }
0xb8: {  	[sflag:s0] =	ssyncadd.s32 @!p0 s1  }
0xb9: {  	[bflag:$0x3] =	sbarrier.arrive $0xFFFF  }
0xba: {  	_ =	shalt  }

// kernel: kernel.7.cloned.1.call-start
scs
__scs_entry_jumppad:
0x0: {  	(pc) =	sbr.rel $0x88, $3  }
0x1: {  	(tag) =	ssettag $0x0;
	lr =	simm.s32 $0x1  }
0x2: {  	[smem:$0x3F9B] =	sst lr;
	_ =	strace $0xD0000000  }
0x3: {  	_ = 	snop  }
0x4: {  	_ = 	snop  }
0x5: {  	_ = 	snop  }
0x6: {  	_ = 	snop  }
0x7: {  	_ = 	snop  }
__scs_overlays_trampoline_lowered:
0x8: {  	[smem:$0x3FAA] =	sst s0  }
0x9: {  	[smem:$0x3FAB] =	sst s1  }
0xa: {  	[smem:$0x3FAC] =	sst s2  }
0xb: {  	[smem:$0x3FAD] =	sst s3  }
0xc: {  	[smem:$0x3FAE] =	sst s4  }
0xd: {  	[smem:$0x3FAF] =	sst s5  }
0xe: {  	[smem:$0x3FB0] =	sst s6  }
0xf: {  	[smem:$0x3FB1] =	sst s7  }
0x10: {  	[smem:$0x3FB2] =	sst s8  }
0x11: {  	[smem:$0x3FB3] =	sst s9;
	s0 =	simm.s32 @!p0 $0x0  }
0x12: {  	s1 =	sld [smem:$0x3F99];
	s0 =	simm.s32 @p0 $0x1  }
0x13: {  	[smem:$0x3FB4] =	sst s0;
	s0 =	simm.s32 @!p1 $0x0  }
0x14: {  	s2 =	sld [smem:$0x3F98];
	s0 =	simm.s32 @p1 $0x1  }
0x15: {  	[smem:$0x3FB5] =	sst s0;
	s0 =	simm.s32 @!p2 $0x0  }
0x16: {  	s3 =	sld [smem:$0x3FDB];
	s0 =	simm.s32 @p2 $0x1  }
0x17: {  	s4 =	simm.s32 $0x1BF5;
	[smem:$0x3FB7] =	sst s0  }
0x18: {  	s0 =	sld [smem:$0x3F9A];
	_ =	swait.ge [sflag:s4], $0x0  }
0x19: {  	s7 =	sld [smem:$0x3F9B]  }
0x1a: {  	s8 =	sadd.s32 $0xFFFFE003, lr  }
0x1b: {  	s9 =	sadd.s32 $0xFFFFFEF7, lr;
	s5 =	simm.s32 $0xFFFFFFFF;
	p2 =	slt.u32 s8, $0xFFFFF086  }
0x1c: {  	p1 =	slt.u32 s9, $0xF7A;
	s5 =	simm.s32 @!p2 $0x0  }
0x1d: {  	s5 =	simm.s32 @p1 $0x1;
	p0 =	seq.s32 s7, s2  }
0x1e: {  	s7 =	smul.u32 @!p0 $0xF7A, s2;
	p2 =	seq.s32 @!p0 s5, $0x0  }
0x1f: {  	s9 =	smul.u32 $0xF7A, s1;
	s8 =	simm.s32 @!p0 $0x1BF5;
	p2 =	por !p2, p0  }
0x20: {  	[sflag:s8] =	ssyncset.s32 @!p0 $0xFFFFF086;
	s6 =	sadd.s32 @!p0 s3, s7;
	s7 =	simm.s32 @!p0 $0x108  }
0x21: {  	s3 =	sadd.s32 s3, s9;
	s6 =	sadd.s32 @!p0 $0x88, s6;
	s7 =	simm.s32 @p2 $0x1082  }
0x22: {  	[simem:s7], [sflag:s8] =	dma.local @!p0 [hbm:s6], $0xF7A  }
0x23: {  	s9 =	sor.u32 $0xD0000000, s2;
	s6 =	simm.s32 $0x108;
	_ =	swait.ge @!p0 [sflag:s8], $0x0  }
0x24: {  	s3 =	sadd.s32 $0x88, s3;
	s6 =	simm.s32 @!p1 $0x1082;
	[sflag:s4] =	ssyncset.s32 $0xFFFFF086  }
0x25: {  	[simem:s6], [sflag:s4] =	dma.local [hbm:s3], $0xF7A  }
0x26: {  	[smem:$0x3F9B] =	sst s1;
	(tag) =	ssettag s2;
	_ =	strace s9  }
0x27: {  	s1 =	sld [smem:$0x3FAB]  }
0x28: {  	s2 =	sld [smem:$0x3FAC]  }
0x29: {  	s4 =	sld [smem:$0x3FAE]  }
0x2a: {  	p0 =	seq.s32 s5, $0x0;
	s5 =	sld [smem:$0x3FAF]  }
0x2b: {  	s6 =	sld [smem:$0x3FB0]  }
0x2c: {  	s7 =	sld [smem:$0x3FB1]  }
0x2d: {  	s3 =	simm.s32 $0x108;
	s8 =	sld [smem:$0x3FB2]  }
0x2e: {  	s3 =	simm.s32 @!p0 $0x1082;
	s9 =	sld [smem:$0x3FB3]  }
0x2f: {  	lr =	sadd.s32 s0, s3;
	s0 =	sld [smem:$0x3FAA]  }
0x30: {  	s3 =	sld [smem:$0x3FAD]  }
0x31: {  	[smem:$0x3FB6] =	sst s10  }
0x32: {  	s10 =	sld [smem:$0x3FB4];
	_ =	sdelay $0x3  }
0x33: {  	p0 =	seq.s32 s10, $0x1;
	s10 =	sld [smem:$0x3FB6];
	_ =	sdelay $0x3  }
0x34: {  	[smem:$0x3FB6] =	sst s10  }
0x35: {  	s10 =	sld [smem:$0x3FB5];
	_ =	sdelay $0x3  }
0x36: {  	p1 =	seq.s32 s10, $0x1;
	s10 =	sld [smem:$0x3FB6];
	_ =	sdelay $0x3  }
0x37: {  	[smem:$0x3FB6] =	sst s10  }
0x38: {  	s10 =	sld [smem:$0x3FB7]  }
0x39: {  	_ = 	snop;
	(pc) =	sbr.ind lr, $3  }
0x3a: {  	_ = 	snop  }
0x3b: {  	_ = 	snop  }
0x3c: {  	p2 =	seq.s32 s10, $0x1;
	s10 =	sld [smem:$0x3FB6]  }
0x3d: {  	_ =	shalt  }
0x3e: {  	_ =	shalt  }
0x3f: {  	_ =	shalt  }
0x40: {  	_ =	shalt  }
0x41: {  	_ =	shalt  }
0x42: {  	_ =	shalt  }
0x43: {  	_ =	shalt  }
0x44: {  	_ =	shalt  }
0x45: {  	_ =	shalt  }
0x46: {  	_ =	shalt  }
0x47: {  	_ =	shalt  }
0x48: {  	_ =	shalt  }
0x49: {  	_ =	shalt  }
0x4a: {  	_ =	shalt  }
0x4b: {  	_ =	shalt  }
0x4c: {  	_ =	shalt  }
0x4d: {  	_ =	shalt  }
0x4e: {  	_ =	shalt  }
0x4f: {  	_ =	shalt  }
0x50: {  	_ =	shalt  }
0x51: {  	_ =	shalt  }
0x52: {  	_ =	shalt  }
0x53: {  	_ =	shalt  }
0x54: {  	_ =	shalt  }
0x55: {  	_ =	shalt  }
0x56: {  	_ =	shalt  }
0x57: {  	_ =	shalt  }
0x58: {  	_ =	shalt  }
0x59: {  	_ =	shalt  }
0x5a: {  	_ =	shalt  }
0x5b: {  	_ =	shalt  }
0x5c: {  	_ =	shalt  }
0x5d: {  	_ =	shalt  }
0x5e: {  	_ =	shalt  }
0x5f: {  	_ =	shalt  }
0x60: {  	_ =	shalt  }
0x61: {  	_ =	shalt  }
0x62: {  	_ =	shalt  }
0x63: {  	_ =	shalt  }
0x64: {  	_ =	shalt  }
0x65: {  	_ =	shalt  }
0x66: {  	_ =	shalt  }
0x67: {  	_ =	shalt  }
0x68: {  	_ =	shalt  }
0x69: {  	_ =	shalt  }
0x6a: {  	_ =	shalt  }
0x6b: {  	_ =	shalt  }
0x6c: {  	_ =	shalt  }
0x6d: {  	_ =	shalt  }
0x6e: {  	_ =	shalt  }
0x6f: {  	_ =	shalt  }
0x70: {  	_ =	shalt  }
0x71: {  	_ =	shalt  }
0x72: {  	_ =	shalt  }
0x73: {  	_ =	shalt  }
0x74: {  	_ =	shalt  }
0x75: {  	_ =	shalt  }
0x76: {  	_ =	shalt  }
0x77: {  	_ =	shalt  }
0x78: {  	_ =	shalt  }
0x79: {  	_ =	shalt  }
0x7a: {  	_ =	shalt  }
0x7b: {  	_ =	shalt  }
0x7c: {  	_ =	shalt  }
0x7d: {  	_ =	shalt  }
0x7e: {  	_ =	shalt  }
0x7f: {  	_ =	shalt  }
0x80: {  	_ =	shalt  }
0x81: {  	_ =	shalt  }
0x82: {  	_ =	shalt  }
0x83: {  	_ =	shalt  }
0x84: {  	_ =	shalt  }
0x85: {  	_ =	shalt  }
0x86: {  	_ =	shalt  }
0x87: {  	_ =	shalt  }
.Lfunc_end0:
.L_simem_size_0:
called_computation_lowered:
.L_overlay_start_0:
0x88: {  	s2 =	sld [smem:$0x3FD9]  }
0x89: {  	s3 =	sld [smem:$0x3FFE];
	_ =	sdelay $0x1  }
0x8a: {  	s1 =	srdreg.scid  }
0x8b: {  	s0 =	sand.u32 $0x1, s1  }
0x8c: {  	s16 =	sshll.u32 s0, $0xA;
	s2 =	sadd.s32 s3, s2  }
0x8d: {  	s2 =	sadd.s32 s2, s16  }
0x8e: {  	[smem:$0x3FC2] =	sst s2  }
0x8f: {  	_ = 	snop  }
0x90: {  	(tm) =	ssettm $0x1  }
0x91: {  	s17 =	sld [smem:$0x3FFB];
	_ =	sdelay $0x3  }
0x92: {  	_ =	strace s17  }
0x93: {  	s2 =	sld [smem:$0x3FFC];
	_ =	sdelay $0x3  }
0x94: {  	_ =	strace s2  }
0x95: {  	s2 =	sld [smem:$0x3FFD];
	_ =	sdelay $0x3  }
0x96: {  	_ =	strace s2  }
0x97: {  	_ =	strace $0x8FFFFFFF  }
0x98: {  	s18 =	sld [smem:$0x3FDB];
	_ =	sdelay $0x1  }
0x99: {  	s19 =	simm.s32 $_scs_section_size  }
0x9a: {  	s4 =	simm.s32 $_size__tile_overlayer_lowered;
	s5 =	simm.s32 $_tile_overlayer_lowered  }
0x9b: {  	s22 =	simm.s32 $0x1BFF;
	s21 =	sshll.u32 s5, $0x1;
	s2 =	sadd.s32 s19, s18  }
0x9c: {  	s6 =	simm.s32 $0x0;
	s20 =	sshll.u32 s4, $0x1;
	s4 =	sadd.s32 s21, s2  }
0x9d: {  	[timem:s6], [sflag:s22] =	dma.local [hbm:s4], s20  }
0x9e: {  	_ =	swait.ge [sflag:s22], s20  }
0x9f: {  	s3 =	ssub.s32 $0x0, s20;
	[sflag:s22] =	ssyncset.done $0x0  }
0xa0: {  	[sflag:s22] =	ssyncadd.s32 s3;
	_ =	sdelay $0x1  }
0xa1: {  	s23 =	simm.s32 $0x1B8B  }
0xa2: {  	_ =	swait.ge [sflag:s23], $0x1  }
0xa3: {  	[sflag:s23] =	ssyncset.done $0x0  }
0xa4: {  	s25 =	simm.s32 $0x1B8E;
	s24 =	sld [smem:$0x3FFE];
	[sflag:s23] =	ssyncadd.s32 $0xFFFFFFFF  }
0xa5: {  	s26 =	simm.s32 $execute0_lowered;
	[smem:$0x3FD2] =	sst s25  }
0xa6: {  	s4 =	sshll.u32 s26, $0x1;
	_ =	strace $0x80000046;
	[dreg:$0x1] =	wrdreg $0xFFFFFFFF  }
0xa7: {  	s28 =	simm.s32 $_size_execute0_lowered;
	s2 =	sadd.s32 s2, s4;
	[dreg:$0x0] =	wrdreg $0x0  }
0xa8: {  	s4 =	sshll.u32 s28, $0x1;
	[dreg:$0x2] =	wrdreg s2  }
0xa9: {  	[dreg:$0x3] =	wrdreg s4  }
0xaa: {  	[dreg:$0x4] =	wrdreg $0xC0  }
0xab: {  	_ =	task [dreg:s6], $0x5FFFF  }
0xac: {  	[dreg:$0x1] =	wrdreg $0xFFFFFFFF  }
0xad: {  	[dreg:$0x0] =	wrdreg $0x60  }
0xae: {  	[dreg:$0x2] =	wrdreg s24  }
0xaf: {  	[dreg:$0x3] =	wrdreg $0x73A00  }
0xb0: {  	[dreg:$0x4] =	wrdreg $0x9  }
0xb1: {  	_ =	task.clear_ibuf [dreg:s6], $0x5FFFF;
	_ =	strace $0x90000046  }
0xb2: {  	s29 =	simm.s32 $0x9;
	_ =	strace $0x80000048  }
0xb3: {  	_ =	swait.ge [sflag:s29], $0x1  }
0xb4: {  	[sflag:s29] =	ssyncadd.s32 $0xFFFFFFFF  }
0xb5: {  	_ =	strace $0x90000048  }
0xb6: {  	_ =	sfence  }
0xb7: {  	s30 =	sld [smem:$0x0];
	_ =	sdelay $0x2  }
0xb8: {  	s31 =	sshll.u32 s1, $0xD;
	s1 =	sshrl.u32 s1, $0x2  }
0xb9: {  	s3 =	sand.u32 $0x4000, s31;
	s1 =	sadd.s32 s1, s30  }
0xba: {  	s0 =	sor.u32 s3, s0;
	s1 =	sshll.u32 s1, $0x11  }
0xbb: {  	s0 =	sor.u32 s1, s0  }
0xbc: {  	s0 =	sadd.s32 $0x8F2B, s0  }
0xbd: {  	[sflag:s0] =	ssyncadd.remote.s32 $0x1  }
0xbe: {  	_ =	sfence.sel $0xFFFF  }
0xbf: {  	[dreg:$0x0] =	wrdreg $0xFFFFFFFF;
	(pc) =	sbr.abs _section_cstart, $3  }
0xc0: {  	[dreg:$0x1] =	wrdreg $0xFFFFFFFF  }
0xc1: {  	_ =	task.clear_ibuf [dreg:s6], $0x2FFFF;
	_ =	strace $0x9FFFFFFF  }
0xc2: {  	(tm) =	ssettm $0x7FFFFFFF  }
0xc3: {  	_ =	shalt  }
tec
execute0_lowered:
.L_overlay_start_1:
0x0: {  	(tag) =	ssettag $0x1  }
0x1: {  	s0 =	srdreg.scid;
	s5 =	rddreg [dreg:$0x0]  }
0x2: {  	s12 =	stileid.u32;
	s2 =	rddreg [dreg:$0x1];
	s3 =	simm.s32 $0x0  }
0x3: {  	s14 =	simm.s32 $0x50;
	s15 =	simm.s32 $0x4E20;
	s16 =	simm.s32 $0x55A0  }
0x4: {  	s18 =	simm.s32 $0x5D20;
	s20 =	simm.s32 $0x64A0;
	s22 =	simm.s32 $0x6C20  }
0x5: {  	s23 =	simm.s32 $0x1;
	s24 =	simm.s32 $0x2;
	s25 =	simm.s32 $0x3  }
0x6: {  	s28 =	simm.s32 $0x5;
	s29 =	simm.s32 $0x6;
	s30 =	simm.s32 $0x7  }
0x7: {  	s31 =	simm.s32 $0x8;
	s17 =	simm.s32 $0x0;
	s0 =	sand.u32 $0x1, s0  }
0x8: {  	s1 =	sshll.u32 s12, $0x1;
	s6 =	smul.u32 $0x3C00, s12;
	[smem:$0x7FF] =	sst s3  }
0x9: {  	s4 =	sadd.s32 $0x14200, s5;
	s26 =	sshll.u32 s12, $0x6;
	s12 =	simm.s32 $0xB  }
0xa: {  	s1 =	sor.u32 s0, s1;
	s7 =	smul.u32 $0x3C000, s0;
	_ =	strace $0x80000047  }
0xb: {  	s0 =	ssub.s32 $0x2, s0;
	s1 =	smul.u32 $0x4E2, s1;
	s8 =	sshrl.u32 s6, $0x3  }
0xc: {  	s9 =	sshrl.u32 s0, $0x1;
	s11 =	sadd.s32 s6, s2;
	s7 =	sadd.s32 s6, s7  }
0xd: {  	s8 =	sadd.s32 s8, s5;
	s0 =	ssub.s32 s0, s9;
	s6 =	sor.u32 $0x1C0B, s26  }
0xe: {  	s11 =	sshrl.u32 s11, $0x3;
	s26 =	simm.s32 $0x4;
	s7 =	sshrl.u32 s7, $0x3  }
0xf: {  	s1 =	sadd.s32 s1, s5;
	s10 =	sadd.s32 s7, s5;
	s5 =	sadd.s32 $0x1BA00, s8  }
0x10: {  	s7 =	sadd.s32 $0xA400, s1;
	s8 =	sadd.s32 $0x600, s1;
	s1 =	simm.s32 $0x9  }
0x11: {  	s9 =	sadd.s32 $0x23200, s10;
	s10 =	smax.u32 s0, $0x1;
	s0 =	simm.s32 $0xA  }
.LBB2_1:
0x12: {  	[spmem:s11], [sflag:s6] =	dma.local [hbm:s5], $0x780  }
0x13: {  	_ =	swait.ge [sflag:s12], $0x780  }
0x14: {  	[sflag:s12] =	ssyncset.done $0x0  }
0x15: {  	[sflag:s12] =	ssyncadd.s32 $0xFFFFF880  }
0x16: {  	[tilespmem:s3], [sflag:$0xB] =	stream.linear.gather [hbm4b:s7+s3], $0x2710, $0x38;
	[tilespmem:$0xAFA0] =	vst v63  }
0x17: {  	_ =	swait.ge [sflag:s12], $0x2710  }
0x18: {  	[sflag:s12] =	ssyncset.done $0x0  }
0x19: {  	s13 =	simm.s32 $0x2710;
	[sflag:s12] =	ssyncadd.s32 $0xFFFFD8F0  }
0x1a: {  	[tilespmem:s13], [sflag:$0xB] =	stream.linear.gather [hbm4b:s8+s3], $0x2710, $0x38;
	[tilespmem:$0xAFA0] =	vst v63  }
0x1b: {  	_ =	swait.ge [sflag:s12], $0x2710  }
0x1c: {  	[sflag:s12] =	ssyncset.done $0x0  }
0x1d: {  	[sflag:s12] =	ssyncadd.s32 $0xFFFFD8F0  }
0x1e: {  	[bflag:$0x0] =	sbarrier.arrive $0xFFFF  }
0x1f: {  	[tilespmem:s15], [sflag:$0x1] =	stream.indirect.gather [hbm4b:s4+s14], $0x18, s3, s14, $0xb8;
	[tilespmem:$0xAFA0] =	vst v63  }
0x20: {  	_ = 	snop  }
0x21: {  	[tilespmem:s16], [sflag:$0x2] =	stream.indirect.gather [hbm4b:s4+s14], $0x18, s14, s14, $0xb8;
	[tilespmem:$0xAFA0] =	vst v63  }
0x22: {  	s21 =	simm.s32 $0xA0  }
0x23: {  	[tilespmem:s18], [sflag:$0x3] =	stream.indirect.gather [hbm4b:s4+s14], $0x18, s21, s14, $0xb8;
	[tilespmem:$0xAFA0] =	vst v63  }
0x24: {  	s19 =	simm.s32 $0xF0  }
0x25: {  	[tilespmem:s20], [sflag:$0x4] =	stream.indirect.gather [hbm4b:s4+s14], $0x18, s19, s14, $0xb8;
	[tilespmem:$0xAFA0] =	vst v63  }
0x26: {  	s21 =	simm.s32 $0x140  }
0x27: {  	[tilespmem:s22], [sflag:$0x5] =	stream.indirect.gather [hbm4b:s4+s14], $0x18, s21, s14, $0xb8;
	[tilespmem:$0xAFA0] =	vst v63  }
0x28: {  	_ =	swait.ge [sflag:s23], $0x780  }
0x29: {  	[sflag:s23] =	ssyncset.done $0x0  }
0x2a: {  	s19 =	simm.s32 $0x2710;
	[sflag:s23] =	ssyncadd.s32 $0xFFFFF880  }
0x2b: {  	[spmem:s2] =	stream.indirect.scatter.add.f32 [tilespmem:s15], [sflag:$0x6], $0x18, s19, s14, $0xb8;
	[tilespmem:$0xAFA0] =	vst v63  }
0x2c: {  	_ =	swait.ge [sflag:s24], $0x780  }
0x2d: {  	[sflag:s24] =	ssyncset.done $0x0  }
0x2e: {  	s13 =	simm.s32 $0x2760;
	[sflag:s24] =	ssyncadd.s32 $0xFFFFF880  }
0x2f: {  	[spmem:s2] =	stream.indirect.scatter.add.f32 [tilespmem:s16], [sflag:$0x7], $0x18, s13, s14, $0xb8;
	[tilespmem:$0xAFA0] =	vst v63  }
0x30: {  	_ =	swait.ge [sflag:s25], $0x780  }
0x31: {  	[sflag:s25] =	ssyncset.done $0x0  }
0x32: {  	s21 =	simm.s32 $0x27B0;
	[sflag:s25] =	ssyncadd.s32 $0xFFFFF880  }
0x33: {  	[spmem:s2] =	stream.indirect.scatter.add.f32 [tilespmem:s18], [sflag:$0x8], $0x18, s21, s14, $0xb8;
	[tilespmem:$0xAFA0] =	vst v63  }
0x34: {  	_ =	swait.ge [sflag:s26], $0x780  }
0x35: {  	[sflag:s26] =	ssyncset.done $0x0  }
0x36: {  	s13 =	simm.s32 $0x2800;
	[sflag:s26] =	ssyncadd.s32 $0xFFFFF880  }
0x37: {  	[spmem:s2] =	stream.indirect.scatter.add.f32 [tilespmem:s20], [sflag:$0x9], $0x18, s13, s14, $0xb8;
	[tilespmem:$0xAFA0] =	vst v63  }
0x38: {  	_ =	swait.ge [sflag:s28], $0x780  }
0x39: {  	[sflag:s28] =	ssyncset.done $0x0  }
0x3a: {  	s21 =	simm.s32 $0x2850;
	[sflag:s28] =	ssyncadd.s32 $0xFFFFF880  }
0x3b: {  	[spmem:s2] =	stream.indirect.scatter.add.f32 [tilespmem:s22], [sflag:$0xA], $0x18, s21, s14, $0xb8;
	[tilespmem:$0xAFA0] =	vst v63  }
0x3c: {  	_ =	swait.ge [sflag:s29], $0x780  }
0x3d: {  	[sflag:s29] =	ssyncset.done $0x0  }
0x3e: {  	s13 =	simm.s32 $0x190;
	[sflag:s29] =	ssyncadd.s32 $0xFFFFF880  }
0x3f: {  	[tilespmem:s15], [sflag:$0x1] =	stream.indirect.gather [hbm4b:s4+s14], $0x18, s13, s14, $0xb8;
	[tilespmem:$0xAFA0] =	vst v63  }
0x40: {  	_ =	swait.ge [sflag:s30], $0x780  }
0x41: {  	[sflag:s30] =	ssyncset.done $0x0  }
0x42: {  	s21 =	simm.s32 $0x1E0;
	[sflag:s30] =	ssyncadd.s32 $0xFFFFF880  }
0x43: {  	[tilespmem:s16], [sflag:$0x2] =	stream.indirect.gather [hbm4b:s4+s14], $0x18, s21, s14, $0xb8;
	[tilespmem:$0xAFA0] =	vst v63  }
0x44: {  	_ =	swait.ge [sflag:s31], $0x780  }
0x45: {  	[sflag:s31] =	ssyncset.done $0x0  }
0x46: {  	s13 =	simm.s32 $0x230;
	[sflag:s31] =	ssyncadd.s32 $0xFFFFF880  }
0x47: {  	[tilespmem:s18], [sflag:$0x3] =	stream.indirect.gather [hbm4b:s4+s14], $0x18, s13, s14, $0xb8;
	[tilespmem:$0xAFA0] =	vst v63  }
0x48: {  	_ =	swait.ge [sflag:s1], $0x780  }
0x49: {  	[sflag:s1] =	ssyncset.done $0x0  }
0x4a: {  	s21 =	simm.s32 $0x280;
	[sflag:s1] =	ssyncadd.s32 $0xFFFFF880  }
0x4b: {  	[tilespmem:s20], [sflag:$0x4] =	stream.indirect.gather [hbm4b:s4+s14], $0x18, s21, s14, $0xb8;
	[tilespmem:$0xAFA0] =	vst v63  }
0x4c: {  	_ =	swait.ge [sflag:s0], $0x780  }
0x4d: {  	[sflag:s0] =	ssyncset.done $0x0  }
0x4e: {  	s19 =	simm.s32 $0x640;
	s21 =	simm.s32 $0x2D0;
	[sflag:s0] =	ssyncadd.s32 $0xFFFFF880  }
.LBB2_2:
0x4f: {  	[tilespmem:s22], [sflag:$0x5] =	stream.indirect.gather [hbm4b:s4+s14], $0x18, s21, s14, $0xb8;
	[tilespmem:$0xAFA0] =	vst v63  }
0x50: {  	s21 =	smov.u32 s19  }
0x51: {  	p0 =	sne.s32 s19, $0x8FC0;
	s19 =	sadd.s32 $0x640, s19;
	_ =	swait.ge [sflag:s23], $0x780  }
0x52: {  	s21 =	sshra.s32 s21, $0x2;
	[sflag:s23] =	ssyncset.done $0x0  }
0x53: {  	s13 =	sadd.s32 $0x2710, s21;
	[sflag:s23] =	ssyncadd.s32 $0xFFFFF880  }
0x54: {  	[spmem:s2] =	stream.indirect.scatter.add.f32 [tilespmem:s15], [sflag:$0x6], $0x18, s13, s14, $0xb8;
	[tilespmem:$0xAFA0] =	vst v63  }
0x55: {  	_ =	swait.ge [sflag:s24], $0x780  }
0x56: {  	[sflag:s24] =	ssyncset.done $0x0  }
0x57: {  	s13 =	sadd.s32 $0x2760, s21;
	[sflag:s24] =	ssyncadd.s32 $0xFFFFF880  }
0x58: {  	[spmem:s2] =	stream.indirect.scatter.add.f32 [tilespmem:s16], [sflag:$0x7], $0x18, s13, s14, $0xb8;
	[tilespmem:$0xAFA0] =	vst v63  }
0x59: {  	_ =	swait.ge [sflag:s25], $0x780  }
0x5a: {  	[sflag:s25] =	ssyncset.done $0x0  }
0x5b: {  	s13 =	sadd.s32 $0x27B0, s21;
	[sflag:s25] =	ssyncadd.s32 $0xFFFFF880  }
0x5c: {  	[spmem:s2] =	stream.indirect.scatter.add.f32 [tilespmem:s18], [sflag:$0x8], $0x18, s13, s14, $0xb8;
	[tilespmem:$0xAFA0] =	vst v63  }
0x5d: {  	_ =	swait.ge [sflag:s26], $0x780  }
0x5e: {  	[sflag:s26] =	ssyncset.done $0x0  }
0x5f: {  	s13 =	sadd.s32 $0x2800, s21;
	[sflag:s26] =	ssyncadd.s32 $0xFFFFF880  }
0x60: {  	[spmem:s2] =	stream.indirect.scatter.add.f32 [tilespmem:s20], [sflag:$0x9], $0x18, s13, s14, $0xb8;
	[tilespmem:$0xAFA0] =	vst v63  }
0x61: {  	_ =	swait.ge [sflag:s28], $0x780  }
0x62: {  	[sflag:s28] =	ssyncset.done $0x0  }
0x63: {  	s13 =	sadd.s32 $0x2850, s21;
	[sflag:s28] =	ssyncadd.s32 $0xFFFFF880  }
0x64: {  	[spmem:s2] =	stream.indirect.scatter.add.f32 [tilespmem:s22], [sflag:$0xA], $0x18, s13, s14, $0xb8;
	[tilespmem:$0xAFA0] =	vst v63  }
0x65: {  	_ =	swait.ge [sflag:s29], $0x780  }
0x66: {  	[sflag:s29] =	ssyncset.done $0x0  }
0x67: {  	s13 =	sadd.s32 $0x190, s21;
	[sflag:s29] =	ssyncadd.s32 $0xFFFFF880  }
0x68: {  	[tilespmem:s15], [sflag:$0x1] =	stream.indirect.gather [hbm4b:s4+s14], $0x18, s13, s14, $0xb8;
	[tilespmem:$0xAFA0] =	vst v63  }
0x69: {  	_ =	swait.ge [sflag:s30], $0x780  }
0x6a: {  	[sflag:s30] =	ssyncset.done $0x0  }
0x6b: {  	s13 =	sadd.s32 $0x1E0, s21;
	[sflag:s30] =	ssyncadd.s32 $0xFFFFF880  }
0x6c: {  	[tilespmem:s16], [sflag:$0x2] =	stream.indirect.gather [hbm4b:s4+s14], $0x18, s13, s14, $0xb8;
	[tilespmem:$0xAFA0] =	vst v63  }
0x6d: {  	_ =	swait.ge [sflag:s31], $0x780  }
0x6e: {  	[sflag:s31] =	ssyncset.done $0x0  }
0x6f: {  	s13 =	sadd.s32 $0x230, s21;
	[sflag:s31] =	ssyncadd.s32 $0xFFFFF880  }
0x70: {  	[tilespmem:s18], [sflag:$0x3] =	stream.indirect.gather [hbm4b:s4+s14], $0x18, s13, s14, $0xb8;
	[tilespmem:$0xAFA0] =	vst v63  }
0x71: {  	_ =	swait.ge [sflag:s1], $0x780  }
0x72: {  	[sflag:s1] =	ssyncset.done $0x0  }
.Ltmp0:
0x73: {  	s13 =	sadd.s32 $0x280, s21;
	[sflag:s1] =	ssyncadd.s32 $0xFFFFF880;
	(pc) =	sbr.rel @p0 .LBB2_2-.Ltmp0, $4  }
0x74: {  	[tilespmem:s20], [sflag:$0x4] =	stream.indirect.gather [hbm4b:s4+s14], $0x18, s13, s14, $0xb8;
	[tilespmem:$0xAFA0] =	vst v63  }
0x75: {  	_ =	swait.ge [sflag:s0], $0x780  }
0x76: {  	[sflag:s0] =	ssyncset.done $0x0  }
0x77: {  	s21 =	sadd.s32 $0x2D0, s21;
	[sflag:s0] =	ssyncadd.s32 $0xFFFFF880  }
0x78: {  	[tilespmem:s22], [sflag:$0x5] =	stream.indirect.gather [hbm4b:s4+s14], $0x18, s21, s14, $0xb8;
	[tilespmem:$0xAFA0] =	vst v63  }
0x79: {  	_ =	swait.ge [sflag:s23], $0x780  }
0x7a: {  	[sflag:s23] =	ssyncset.done $0x0  }
0x7b: {  	s13 =	simm.s32 $0x4C90;
	[sflag:s23] =	ssyncadd.s32 $0xFFFFF880  }
0x7c: {  	[spmem:s2] =	stream.indirect.scatter.add.f32 [tilespmem:s15], [sflag:$0x6], $0x18, s13, s14, $0xb8;
	[tilespmem:$0xAFA0] =	vst v63  }
0x7d: {  	_ =	swait.ge [sflag:s24], $0x780  }
0x7e: {  	[sflag:s24] =	ssyncset.done $0x0  }
0x7f: {  	s19 =	simm.s32 $0x4CE0;
	[sflag:s24] =	ssyncadd.s32 $0xFFFFF880  }
0x80: {  	[spmem:s2] =	stream.indirect.scatter.add.f32 [tilespmem:s16], [sflag:$0x7], $0x18, s19, s14, $0xb8;
	[tilespmem:$0xAFA0] =	vst v63  }
0x81: {  	_ =	swait.ge [sflag:s25], $0x780  }
0x82: {  	[sflag:s25] =	ssyncset.done $0x0  }
0x83: {  	s21 =	simm.s32 $0x4D30;
	[sflag:s25] =	ssyncadd.s32 $0xFFFFF880  }
0x84: {  	[spmem:s2] =	stream.indirect.scatter.add.f32 [tilespmem:s18], [sflag:$0x8], $0x18, s21, s14, $0xb8;
	[tilespmem:$0xAFA0] =	vst v63  }
0x85: {  	_ =	swait.ge [sflag:s26], $0x780  }
0x86: {  	[sflag:s26] =	ssyncset.done $0x0  }
0x87: {  	s19 =	simm.s32 $0x4D80;
	[sflag:s26] =	ssyncadd.s32 $0xFFFFF880  }
0x88: {  	[spmem:s2] =	stream.indirect.scatter.add.f32 [tilespmem:s20], [sflag:$0x9], $0x18, s19, s14, $0xb8;
	[tilespmem:$0xAFA0] =	vst v63  }
0x89: {  	_ =	swait.ge [sflag:s28], $0x780  }
0x8a: {  	[sflag:s28] =	ssyncset.done $0x0  }
0x8b: {  	s21 =	simm.s32 $0x4DD0;
	[sflag:s28] =	ssyncadd.s32 $0xFFFFF880  }
0x8c: {  	[spmem:s2] =	stream.indirect.scatter.add.f32 [tilespmem:s22], [sflag:$0xA], $0x18, s21, s14, $0xb8;
	[tilespmem:$0xAFA0] =	vst v63  }
0x8d: {  	_ =	swait.ge [sflag:s29], $0x780  }
0x8e: {  	[sflag:s29] =	ssyncset.done $0x0  }
0x8f: {  	[sflag:s29] =	ssyncadd.s32 $0xFFFFF880  }
0x90: {  	_ =	swait.ge [sflag:s30], $0x780  }
0x91: {  	[sflag:s30] =	ssyncset.done $0x0  }
0x92: {  	[sflag:s30] =	ssyncadd.s32 $0xFFFFF880  }
0x93: {  	_ =	swait.ge [sflag:s31], $0x780  }
0x94: {  	[sflag:s31] =	ssyncset.done $0x0  }
0x95: {  	[sflag:s31] =	ssyncadd.s32 $0xFFFFF880  }
0x96: {  	_ =	swait.ge [sflag:s1], $0x780  }
0x97: {  	[sflag:s1] =	ssyncset.done $0x0  }
0x98: {  	[sflag:s1] =	ssyncadd.s32 $0xFFFFF880  }
0x99: {  	_ =	swait.ge [sflag:s0], $0x780  }
0x9a: {  	s17 =	sadd.s32 $0x1, s17;
	[sflag:s0] =	ssyncset.done $0x0  }
0x9b: {  	p0 =	sne.s32 s17, s10;
	[sflag:s0] =	ssyncadd.s32 $0xFFFFF880  }
.Ltmp1:
0x9c: {  	[bflag:$0x0] =	sbarrier.arrive $0xFFFF;
	(pc) =	sbr.rel @p0 .LBB2_1-.Ltmp1, $4  }
0x9d: {  	[hbm:s9], [sflag:s6] =	dma.local [spmem:s11], $0x780  }
0x9e: {  	_ =	swait.ge [sflag:s12], $0x780  }
0x9f: {  	[sflag:s12] =	ssyncset.done $0x0  }
0xa0: {  	[sflag:s12] =	ssyncadd.s32 $0xFFFFF880  }
0xa1: {  	_ =	sfence.sel $0x180000  }
0xa2: {  	[bflag:$0x0] =	sbarrier.arrive $0xFFFF  }
0xa3: {  	_ =	strace $0x90000047  }
0xa4: {  	s0 =	stileid.u32;
	[bflag:$0x2] =	sbarrier.arrive $0xFFFF  }
0xa5: {  	p0 =	sne.s32 s0, $0x0;
	s0 =	rddreg [dreg:$0x2]  }
0xa6: {  	s0 =	sadd.s32 @!p0 $0x100000, s0  }
0xa7: {  	[sflag:s0] =	ssyncadd.tile.s32 @!p0 $0x1;
	_ =	shalt  }
.Lfunc_end2:
_tile_overlayer_lowered:
.L_overlay_start_2:
0xa8: {  	(tag) =	ssettag $0x2  }
0xa9: {  	s0 =	rddreg [dreg:$0x0];
	s2 =	stileid.u32  }
0xaa: {  	s1 =	rddreg [dreg:$0x1];
	p0 =	sne.s32 s2, $0x0  }
0xab: {  	s3 =	rddreg [dreg:$0x2];
	[bflag:$0x3] =	sbarrier.arrive $0xFFFF;
	s2 =	simm.s32 @!p0 $0x1C0B  }
0xac: {  	[timem:s3], [sflag:s2] =	dma.local @!p0 [hbm:s0], s1  }
0xad: {  	s0 =	simm.s32 @!p0 $0xB  }
0xae: {  	_ =	swait.ge @!p0 [sflag:s0], s1  }
0xaf: {  	s1 =	ssub.s32 @!p0 $0x0, s1;
	[sflag:s0] =	ssyncset.done @!p0 $0x0  }
0xb0: {  	[sflag:s0] =	ssyncadd.s32 @!p0 s1  }
0xb1: {  	[bflag:$0x3] =	sbarrier.arrive $0xFFFF  }
0xb2: {  	_ =	shalt  }

</sc_bundles>
